<compile_context>
chip_gen: v7x
topology: tpu7x:2x2x1
jax: 0.10.2.dev20260603
libtpu: 0.0.44.dev20260713+nightly
codegen_flags: <defaults>
</compile_context>

<pallas_src>
import functools

import jax
import jax.numpy as jnp
from jax import lax
from jax.experimental import pallas as pl
from jax.experimental.pallas import tpu as pltpu
from jax.experimental.pallas import tpu_sc as plsc

_NC = 2
_NS = 16
_NW = _NC * _NS

_SEED = 16
_BLOCK = _SEED * _NS
_SP = 5


def _make_broadcast_kernel(S, D, dtype):
    b_per_w = S // _NW
    n_dma = b_per_w // _BLOCK
    mesh = plsc.VectorSubcoreMesh(core_axis_name="c", subcore_axis_name="s")

    @functools.partial(
        pl.kernel,
        out_type=jax.ShapeDtypeStruct((S, D), dtype),
        mesh=mesh,
        scratch_types=[
            pltpu.VMEM((_SEED,), jnp.int32),
            pltpu.VMEM((_SEED, D), dtype),
            pltpu.VMEM((_SEED, D), dtype),
            pltpu.VMEM_SHARED((_BLOCK, D), dtype),
            pltpu.SemaphoreType.DMA,
            pltpu.SemaphoreType.DMA,
            pltpu.SemaphoreType.DMA,
        ],
    )
    def broadcast_kernel(table_hbm, idx_hbm, out_hbm, idx_v, row_v, row_v2,
                         shared_v, gsem, wsem, tsem):
        cid = lax.axis_index("c")
        sid = lax.axis_index("s")
        base = (cid * _NS + sid) * b_per_w

        @pl.when(sid == 0)
        def _():
            pltpu.sync_copy(idx_hbm, idx_v)
            pltpu.async_copy(table_hbm.at[idx_v], row_v, gsem).wait()
            pltpu.sync_copy(row_v, shared_v.at[pl.ds(0, _SEED)])

        plsc.subcore_barrier()

        seed = shared_v.at[pl.ds(0, _SEED)]
        n_chunks = b_per_w // _SEED
        spmem_share = [(j * _SP) // n_chunks != ((j + 1) * _SP) // n_chunks
                       for j in range(n_chunks)]
        copies = [
            pltpu.async_copy(
                seed, out_hbm.at[pl.ds(base + j * _SEED, _SEED)], wsem
            )
            for j, use_spmem in enumerate(spmem_share) if use_spmem
        ]
        @pl.when(sid > 0)
        def _():
            pltpu.sync_copy(seed, row_v)
        pltpu.sync_copy(seed, row_v2)
        tile_chunks = [j for j, use_spmem in enumerate(spmem_share)
                       if not use_spmem]
        copies += [
            pltpu.async_copy(
                row_v if i % 2 == 0 else row_v2,
                out_hbm.at[pl.ds(base + j * _SEED, _SEED)],
                gsem if i % 2 == 0 else tsem,
            )
            for i, j in enumerate(tile_chunks)
        ]
        for c in copies:
            c.wait()

    return broadcast_kernel


def kernel(embeddings, modality_embedding, token_type_id):
    S = embeddings.shape[1]
    D = modality_embedding.shape[1]
    idx = jnp.full((_SEED,), token_type_id, dtype=jnp.int32)
    fn = _make_broadcast_kernel(S, D, modality_embedding.dtype)
    return fn(modality_embedding, idx)

# --- scband reference (transcript-rebuilt; emitter-appended) ---
"""Pipeline reference for scband-token-type-embeddings-55920474194368 (READ-ONLY COPY).

The authoritative reference and input builder live on the scoring server;
editing this copy changes nothing except your own understanding.
"""

import jax, jax.numpy as jnp
import numpy as np


def setup_inputs(seed: int = 0) -> dict:
    key = jax.random.key(seed)
    k1, k2 = jax.random.split(key)
    embeddings = jax.random.normal(k1, (4, 8192, 1024), dtype=jnp.float32)
    # nn.Embedding(token_type_num=3, d_model=1024) weight
    modality_embedding = jax.random.normal(k2, (3, 1024), dtype=jnp.float32) * 0.02
    # token_type='object' in the torch module maps to id 0 via type2id
    return {
        "embeddings": embeddings,
        "modality_embedding": modality_embedding,
        "token_type_id": 0,
    }


def reference(embeddings, modality_embedding, token_type_id):
    # Faithful translation of TokenTypeEmbeddings.forward:
    # seq_length = embeddings.size(1)
    # idx = [token_type_id] * seq_length
    # return self.modality_embedding(idx)  -> shape [seq_length, d_model]
    seq_length = embeddings.shape[1]
    idx = jnp.full((seq_length,), token_type_id, dtype=jnp.int32)
    modality_embeddings = jnp.take(modality_embedding, idx, axis=0)
    return modality_embeddings

if __name__ == "__main__":
    import jax
    _d = setup_inputs()
    print(jax.jit(kernel)(*tuple(_d.values())))

</pallas_src>

<mosaic_0001>
#map = affine_map<(d0, d1) -> (0, 0)>
#map1 = affine_map<(d0, d1) -> (0)>
module attributes {stable_mosaic.version = 14 : i64} {
  func.func @broadcast_kernel(%arg0: i32, %arg1: i32, %arg2: memref<3x1024xf32, #tpu.memory_space<hbm>>, %arg3: memref<16xi32, #tpu.memory_space<hbm>>, %arg4: memref<8192x1024xf32, #tpu.memory_space<hbm>>, %arg5: memref<16xi32, #tpu.memory_space<vmem>>, %arg6: memref<16x1024xf32, #tpu.memory_space<vmem>>, %arg7: memref<16x1024xf32, #tpu.memory_space<vmem>>, %arg8: memref<256x1024xf32, #tpu.memory_space<vmem_shared>>, %arg9: memref<!tpu.dma_semaphore, #tpu.memory_space<semaphore_mem>>, %arg10: memref<!tpu.dma_semaphore, #tpu.memory_space<semaphore_mem>>, %arg11: memref<!tpu.dma_semaphore, #tpu.memory_space<semaphore_mem>>) attributes {dimension_semantics = [#tpu.dimension_semantics<core_parallel>, #tpu.dimension_semantics<subcore_parallel>], iteration_bounds = array<i64: 2, 16>, scalar_prefetch = 0 : i64, scratch_operands = 7 : i64, tpu.core_type = #tpu.core_type<sc_vector_subcore>, window_params = [{transform_indices = #map}, {transform_indices = #map1}, {transform_indices = #map}]} {
    %mul3A = arith.constant 16 : i32
    %mul3A_0 = arith.muli %arg0, %mul3A : i32
    %add3A = arith.addi %mul3A_0, %arg1 : i32
    %mul3A_1 = arith.constant 256 : i32
    %mul3A_2 = arith.muli %add3A, %mul3A_1 : i32
    %eq3A = arith.constant 0 : i32
    %eq3A_3 = arith.cmpi eq, %arg1, %eq3A : i32
    %convert_element_type3A = arith.extui %eq3A_3 : i1 to i32
    %cond3A = arith.constant 0 : i32
    %cond3A_4 = arith.cmpi ne, %convert_element_type3A, %cond3A : i32
    scf.if %cond3A_4 {
      "tpu.region"() ({
        %run_scoped3A = tpu.sem_alloc : memref<!tpu.dma_semaphore, #tpu.memory_space<semaphore_mem>>
        tpu.enqueue_dma source(%arg3 : memref<16xi32, #tpu.memory_space<hbm>>) target(%arg5 : memref<16xi32, #tpu.memory_space<vmem>>) target_semaphore(%run_scoped3A : memref<!tpu.dma_semaphore, #tpu.memory_space<semaphore_mem>>)
        tpu.wait_dma2 semaphore(%run_scoped3A : memref<!tpu.dma_semaphore, #tpu.memory_space<semaphore_mem>>) src(%arg3 : memref<16xi32, #tpu.memory_space<hbm>>) dst(%arg5 : memref<16xi32, #tpu.memory_space<vmem>>)
        tpu.yield
      }) : () -> ()
      %dma_start3A_177 = arith.constant 0 : i32
      %dma_start3A_178 = arith.constant 0 : i32
      %dma_start3A_179 = tpu.memref_slice %arg2[%dma_start3A_177, %dma_start3A_178] : memref<3x1024xf32, #tpu.memory_space<hbm>> -> memref<3x1024xf32, #tpu.memory_space<hbm>>
      tpu.enqueue_indirect_dma source(%dma_start3A_179 : memref<3x1024xf32, #tpu.memory_space<hbm>>) target(%arg6 : memref<16x1024xf32, #tpu.memory_space<vmem>>) offsets(%arg5 : memref<16xi32, #tpu.memory_space<vmem>>) semaphore(%arg9 : memref<!tpu.dma_semaphore, #tpu.memory_space<semaphore_mem>>)
      %dma_wait3A_180 = arith.constant 0 : i32
      %dma_wait3A_181 = arith.constant 0 : i32
      %dma_wait3A_182 = tpu.memref_slice %arg2[%dma_wait3A_180, %dma_wait3A_181] : memref<3x1024xf32, #tpu.memory_space<hbm>> -> memref<3x1024xf32, #tpu.memory_space<hbm>>
      tpu.wait_indirect_dma semaphore(%arg9 : memref<!tpu.dma_semaphore, #tpu.memory_space<semaphore_mem>>) src(%dma_wait3A_182 : memref<3x1024xf32, #tpu.memory_space<hbm>>) dst(%arg6 : memref<16x1024xf32, #tpu.memory_space<vmem>>)
      "tpu.region"() ({
        %run_scoped3A = tpu.sem_alloc : memref<!tpu.dma_semaphore, #tpu.memory_space<semaphore_mem>>
        %dma_start3A_183 = arith.constant 0 : i32
        %dma_start3A_184 = arith.constant 0 : i32
        %dma_start3A_185 = tpu.memref_slice %arg8[%dma_start3A_183, %dma_start3A_184] : memref<256x1024xf32, #tpu.memory_space<vmem_shared>> -> memref<16x1024xf32, #tpu.memory_space<vmem_shared>>
        %dma_start3A_186 = arith.constant 0 : i32
        %dma_start3A_187 = arith.constant 0 : i32
        %dma_start3A_188 = tpu.memref_slice %arg8[%dma_start3A_186, %dma_start3A_187] : memref<256x1024xf32, #tpu.memory_space<vmem_shared>> -> memref<16x1024xf32, #tpu.memory_space<vmem_shared>>
        tpu.enqueue_dma source(%arg6 : memref<16x1024xf32, #tpu.memory_space<vmem>>) target(%dma_start3A_188 : memref<16x1024xf32, #tpu.memory_space<vmem_shared>>) target_semaphore(%run_scoped3A : memref<!tpu.dma_semaphore, #tpu.memory_space<semaphore_mem>>)
        %dma_wait3A_189 = arith.constant 0 : i32
        %dma_wait3A_190 = arith.constant 0 : i32
        %dma_wait3A_191 = tpu.memref_slice %arg8[%dma_wait3A_189, %dma_wait3A_190] : memref<256x1024xf32, #tpu.memory_space<vmem_shared>> -> memref<16x1024xf32, #tpu.memory_space<vmem_shared>>
        %dma_wait3A_192 = arith.constant 0 : i32
        %dma_wait3A_193 = arith.constant 0 : i32
        %dma_wait3A_194 = tpu.memref_slice %arg8[%dma_wait3A_192, %dma_wait3A_193] : memref<256x1024xf32, #tpu.memory_space<vmem_shared>> -> memref<16x1024xf32, #tpu.memory_space<vmem_shared>>
        tpu.wait_dma2 semaphore(%run_scoped3A : memref<!tpu.dma_semaphore, #tpu.memory_space<semaphore_mem>>) src(%arg6 : memref<16x1024xf32, #tpu.memory_space<vmem>>) dst(%dma_wait3A_194 : memref<16x1024xf32, #tpu.memory_space<vmem_shared>>)
        tpu.yield
      }) : () -> ()
    } else {
    }
    %barrier3A = arith.constant 0 : index
    tpu.barrier barrier_id(%barrier3A)
    %add3A_5 = arith.constant 48 : i32
    %add3A_6 = arith.addi %mul3A_2, %add3A_5 : i32
    %dma_start3A = arith.constant 0 : i32
    %dma_start3A_7 = tpu.memref_slice %arg4[%add3A_6, %dma_start3A] : memref<8192x1024xf32, #tpu.memory_space<hbm>> -> memref<16x1024xf32, #tpu.memory_space<hbm>>
    %dma_start3A_8 = arith.constant 0 : i32
    %dma_start3A_9 = arith.constant 0 : i32
    %dma_start3A_10 = tpu.memref_slice %arg8[%dma_start3A_8, %dma_start3A_9] : memref<256x1024xf32, #tpu.memory_space<vmem_shared>> -> memref<16x1024xf32, #tpu.memory_space<vmem_shared>>
    tpu.enqueue_dma source(%dma_start3A_10 : memref<16x1024xf32, #tpu.memory_space<vmem_shared>>) target(%dma_start3A_7 : memref<16x1024xf32, #tpu.memory_space<hbm>>) target_semaphore(%arg10 : memref<!tpu.dma_semaphore, #tpu.memory_space<semaphore_mem>>)
    %add3A_11 = arith.constant 96 : i32
    %add3A_12 = arith.addi %mul3A_2, %add3A_11 : i32
    %dma_start3A_13 = arith.constant 0 : i32
    %dma_start3A_14 = tpu.memref_slice %arg4[%add3A_12, %dma_start3A_13] : memref<8192x1024xf32, #tpu.memory_space<hbm>> -> memref<16x1024xf32, #tpu.memory_space<hbm>>
    %dma_start3A_15 = arith.constant 0 : i32
    %dma_start3A_16 = arith.constant 0 : i32
    %dma_start3A_17 = tpu.memref_slice %arg8[%dma_start3A_15, %dma_start3A_16] : memref<256x1024xf32, #tpu.memory_space<vmem_shared>> -> memref<16x1024xf32, #tpu.memory_space<vmem_shared>>
    tpu.enqueue_dma source(%dma_start3A_17 : memref<16x1024xf32, #tpu.memory_space<vmem_shared>>) target(%dma_start3A_14 : memref<16x1024xf32, #tpu.memory_space<hbm>>) target_semaphore(%arg10 : memref<!tpu.dma_semaphore, #tpu.memory_space<semaphore_mem>>)
    %add3A_18 = arith.constant 144 : i32
    %add3A_19 = arith.addi %mul3A_2, %add3A_18 : i32
    %dma_start3A_20 = arith.constant 0 : i32
    %dma_start3A_21 = tpu.memref_slice %arg4[%add3A_19, %dma_start3A_20] : memref<8192x1024xf32, #tpu.memory_space<hbm>> -> memref<16x1024xf32, #tpu.memory_space<hbm>>
    %dma_start3A_22 = arith.constant 0 : i32
    %dma_start3A_23 = arith.constant 0 : i32
    %dma_start3A_24 = tpu.memref_slice %arg8[%dma_start3A_22, %dma_start3A_23] : memref<256x1024xf32, #tpu.memory_space<vmem_shared>> -> memref<16x1024xf32, #tpu.memory_space<vmem_shared>>
    tpu.enqueue_dma source(%dma_start3A_24 : memref<16x1024xf32, #tpu.memory_space<vmem_shared>>) target(%dma_start3A_21 : memref<16x1024xf32, #tpu.memory_space<hbm>>) target_semaphore(%arg10 : memref<!tpu.dma_semaphore, #tpu.memory_space<semaphore_mem>>)
    %add3A_25 = arith.constant 192 : i32
    %add3A_26 = arith.addi %mul3A_2, %add3A_25 : i32
    %dma_start3A_27 = arith.constant 0 : i32
    %dma_start3A_28 = tpu.memref_slice %arg4[%add3A_26, %dma_start3A_27] : memref<8192x1024xf32, #tpu.memory_space<hbm>> -> memref<16x1024xf32, #tpu.memory_space<hbm>>
    %dma_start3A_29 = arith.constant 0 : i32
    %dma_start3A_30 = arith.constant 0 : i32
    %dma_start3A_31 = tpu.memref_slice %arg8[%dma_start3A_29, %dma_start3A_30] : memref<256x1024xf32, #tpu.memory_space<vmem_shared>> -> memref<16x1024xf32, #tpu.memory_space<vmem_shared>>
    tpu.enqueue_dma source(%dma_start3A_31 : memref<16x1024xf32, #tpu.memory_space<vmem_shared>>) target(%dma_start3A_28 : memref<16x1024xf32, #tpu.memory_space<hbm>>) target_semaphore(%arg10 : memref<!tpu.dma_semaphore, #tpu.memory_space<semaphore_mem>>)
    %add3A_32 = arith.constant 240 : i32
    %add3A_33 = arith.addi %mul3A_2, %add3A_32 : i32
    %dma_start3A_34 = arith.constant 0 : i32
    %dma_start3A_35 = tpu.memref_slice %arg4[%add3A_33, %dma_start3A_34] : memref<8192x1024xf32, #tpu.memory_space<hbm>> -> memref<16x1024xf32, #tpu.memory_space<hbm>>
    %dma_start3A_36 = arith.constant 0 : i32
    %dma_start3A_37 = arith.constant 0 : i32
    %dma_start3A_38 = tpu.memref_slice %arg8[%dma_start3A_36, %dma_start3A_37] : memref<256x1024xf32, #tpu.memory_space<vmem_shared>> -> memref<16x1024xf32, #tpu.memory_space<vmem_shared>>
    tpu.enqueue_dma source(%dma_start3A_38 : memref<16x1024xf32, #tpu.memory_space<vmem_shared>>) target(%dma_start3A_35 : memref<16x1024xf32, #tpu.memory_space<hbm>>) target_semaphore(%arg10 : memref<!tpu.dma_semaphore, #tpu.memory_space<semaphore_mem>>)
    %gt3A = arith.constant 0 : i32
    %gt3A_39 = arith.cmpi sgt, %arg1, %gt3A : i32
    %convert_element_type3A_40 = arith.extui %gt3A_39 : i1 to i32
    %cond3A_41 = arith.constant 0 : i32
    %cond3A_42 = arith.cmpi ne, %convert_element_type3A_40, %cond3A_41 : i32
    scf.if %cond3A_42 {
      "tpu.region"() ({
        %run_scoped3A = tpu.sem_alloc : memref<!tpu.dma_semaphore, #tpu.memory_space<semaphore_mem>>
        %dma_start3A_177 = arith.constant 0 : i32
        %dma_start3A_178 = arith.constant 0 : i32
        %dma_start3A_179 = tpu.memref_slice %arg8[%dma_start3A_177, %dma_start3A_178] : memref<256x1024xf32, #tpu.memory_space<vmem_shared>> -> memref<16x1024xf32, #tpu.memory_space<vmem_shared>>
        %dma_start3A_180 = arith.constant 0 : i32
        %dma_start3A_181 = arith.constant 0 : i32
        %dma_start3A_182 = tpu.memref_slice %arg8[%dma_start3A_180, %dma_start3A_181] : memref<256x1024xf32, #tpu.memory_space<vmem_shared>> -> memref<16x1024xf32, #tpu.memory_space<vmem_shared>>
        tpu.enqueue_dma source(%dma_start3A_182 : memref<16x1024xf32, #tpu.memory_space<vmem_shared>>) target(%arg6 : memref<16x1024xf32, #tpu.memory_space<vmem>>) target_semaphore(%run_scoped3A : memref<!tpu.dma_semaphore, #tpu.memory_space<semaphore_mem>>)
        %dma_wait3A_183 = arith.constant 0 : i32
        %dma_wait3A_184 = arith.constant 0 : i32
        %dma_wait3A_185 = tpu.memref_slice %arg8[%dma_wait3A_183, %dma_wait3A_184] : memref<256x1024xf32, #tpu.memory_space<vmem_shared>> -> memref<16x1024xf32, #tpu.memory_space<vmem_shared>>
        %dma_wait3A_186 = arith.constant 0 : i32
        %dma_wait3A_187 = arith.constant 0 : i32
        %dma_wait3A_188 = tpu.memref_slice %arg8[%dma_wait3A_186, %dma_wait3A_187] : memref<256x1024xf32, #tpu.memory_space<vmem_shared>> -> memref<16x1024xf32, #tpu.memory_space<vmem_shared>>
        tpu.wait_dma2 semaphore(%run_scoped3A : memref<!tpu.dma_semaphore, #tpu.memory_space<semaphore_mem>>) src(%dma_wait3A_188 : memref<16x1024xf32, #tpu.memory_space<vmem_shared>>) dst(%arg6 : memref<16x1024xf32, #tpu.memory_space<vmem>>)
        tpu.yield
      }) : () -> ()
    } else {
    }
    "tpu.region"() ({
      %run_scoped3A = tpu.sem_alloc : memref<!tpu.dma_semaphore, #tpu.memory_space<semaphore_mem>>
      %dma_start3A_177 = arith.constant 0 : i32
      %dma_start3A_178 = arith.constant 0 : i32
      %dma_start3A_179 = tpu.memref_slice %arg8[%dma_start3A_177, %dma_start3A_178] : memref<256x1024xf32, #tpu.memory_space<vmem_shared>> -> memref<16x1024xf32, #tpu.memory_space<vmem_shared>>
      %dma_start3A_180 = arith.constant 0 : i32
      %dma_start3A_181 = arith.constant 0 : i32
      %dma_start3A_182 = tpu.memref_slice %arg8[%dma_start3A_180, %dma_start3A_181] : memref<256x1024xf32, #tpu.memory_space<vmem_shared>> -> memref<16x1024xf32, #tpu.memory_space<vmem_shared>>
      tpu.enqueue_dma source(%dma_start3A_182 : memref<16x1024xf32, #tpu.memory_space<vmem_shared>>) target(%arg7 : memref<16x1024xf32, #tpu.memory_space<vmem>>) target_semaphore(%run_scoped3A : memref<!tpu.dma_semaphore, #tpu.memory_space<semaphore_mem>>)
      %dma_wait3A_183 = arith.constant 0 : i32
      %dma_wait3A_184 = arith.constant 0 : i32
      %dma_wait3A_185 = tpu.memref_slice %arg8[%dma_wait3A_183, %dma_wait3A_184] : memref<256x1024xf32, #tpu.memory_space<vmem_shared>> -> memref<16x1024xf32, #tpu.memory_space<vmem_shared>>
      %dma_wait3A_186 = arith.constant 0 : i32
      %dma_wait3A_187 = arith.constant 0 : i32
      %dma_wait3A_188 = tpu.memref_slice %arg8[%dma_wait3A_186, %dma_wait3A_187] : memref<256x1024xf32, #tpu.memory_space<vmem_shared>> -> memref<16x1024xf32, #tpu.memory_space<vmem_shared>>
      tpu.wait_dma2 semaphore(%run_scoped3A : memref<!tpu.dma_semaphore, #tpu.memory_space<semaphore_mem>>) src(%dma_wait3A_188 : memref<16x1024xf32, #tpu.memory_space<vmem_shared>>) dst(%arg7 : memref<16x1024xf32, #tpu.memory_space<vmem>>)
      tpu.yield
    }) : () -> ()
    %add3A_43 = arith.constant 0 : i32
    %add3A_44 = arith.addi %mul3A_2, %add3A_43 : i32
    %dma_start3A_45 = arith.constant 0 : i32
    %dma_start3A_46 = tpu.memref_slice %arg4[%add3A_44, %dma_start3A_45] : memref<8192x1024xf32, #tpu.memory_space<hbm>> -> memref<16x1024xf32, #tpu.memory_space<hbm>>
    %dma_start3A_47 = arith.constant 0 : i32
    %dma_start3A_48 = tpu.memref_slice %arg4[%add3A_44, %dma_start3A_47] : memref<8192x1024xf32, #tpu.memory_space<hbm>> -> memref<16x1024xf32, #tpu.memory_space<hbm>>
    tpu.enqueue_dma source(%arg6 : memref<16x1024xf32, #tpu.memory_space<vmem>>) target(%dma_start3A_48 : memref<16x1024xf32, #tpu.memory_space<hbm>>) target_semaphore(%arg9 : memref<!tpu.dma_semaphore, #tpu.memory_space<semaphore_mem>>)
    %add3A_49 = arith.constant 16 : i32
    %add3A_50 = arith.addi %mul3A_2, %add3A_49 : i32
    %dma_start3A_51 = arith.constant 0 : i32
    %dma_start3A_52 = tpu.memref_slice %arg4[%add3A_50, %dma_start3A_51] : memref<8192x1024xf32, #tpu.memory_space<hbm>> -> memref<16x1024xf32, #tpu.memory_space<hbm>>
    %dma_start3A_53 = arith.constant 0 : i32
    %dma_start3A_54 = tpu.memref_slice %arg4[%add3A_50, %dma_start3A_53] : memref<8192x1024xf32, #tpu.memory_space<hbm>> -> memref<16x1024xf32, #tpu.memory_space<hbm>>
    tpu.enqueue_dma source(%arg7 : memref<16x1024xf32, #tpu.memory_space<vmem>>) target(%dma_start3A_54 : memref<16x1024xf32, #tpu.memory_space<hbm>>) target_semaphore(%arg11 : memref<!tpu.dma_semaphore, #tpu.memory_space<semaphore_mem>>)
    %add3A_55 = arith.constant 32 : i32
    %add3A_56 = arith.addi %mul3A_2, %add3A_55 : i32
    %dma_start3A_57 = arith.constant 0 : i32
    %dma_start3A_58 = tpu.memref_slice %arg4[%add3A_56, %dma_start3A_57] : memref<8192x1024xf32, #tpu.memory_space<hbm>> -> memref<16x1024xf32, #tpu.memory_space<hbm>>
    %dma_start3A_59 = arith.constant 0 : i32
    %dma_start3A_60 = tpu.memref_slice %arg4[%add3A_56, %dma_start3A_59] : memref<8192x1024xf32, #tpu.memory_space<hbm>> -> memref<16x1024xf32, #tpu.memory_space<hbm>>
    tpu.enqueue_dma source(%arg6 : memref<16x1024xf32, #tpu.memory_space<vmem>>) target(%dma_start3A_60 : memref<16x1024xf32, #tpu.memory_space<hbm>>) target_semaphore(%arg9 : memref<!tpu.dma_semaphore, #tpu.memory_space<semaphore_mem>>)
    %add3A_61 = arith.constant 64 : i32
    %add3A_62 = arith.addi %mul3A_2, %add3A_61 : i32
    %dma_start3A_63 = arith.constant 0 : i32
    %dma_start3A_64 = tpu.memref_slice %arg4[%add3A_62, %dma_start3A_63] : memref<8192x1024xf32, #tpu.memory_space<hbm>> -> memref<16x1024xf32, #tpu.memory_space<hbm>>
    %dma_start3A_65 = arith.constant 0 : i32
    %dma_start3A_66 = tpu.memref_slice %arg4[%add3A_62, %dma_start3A_65] : memref<8192x1024xf32, #tpu.memory_space<hbm>> -> memref<16x1024xf32, #tpu.memory_space<hbm>>
    tpu.enqueue_dma source(%arg7 : memref<16x1024xf32, #tpu.memory_space<vmem>>) target(%dma_start3A_66 : memref<16x1024xf32, #tpu.memory_space<hbm>>) target_semaphore(%arg11 : memref<!tpu.dma_semaphore, #tpu.memory_space<semaphore_mem>>)
    %add3A_67 = arith.constant 80 : i32
    %add3A_68 = arith.addi %mul3A_2, %add3A_67 : i32
    %dma_start3A_69 = arith.constant 0 : i32
    %dma_start3A_70 = tpu.memref_slice %arg4[%add3A_68, %dma_start3A_69] : memref<8192x1024xf32, #tpu.memory_space<hbm>> -> memref<16x1024xf32, #tpu.memory_space<hbm>>
    %dma_start3A_71 = arith.constant 0 : i32
    %dma_start3A_72 = tpu.memref_slice %arg4[%add3A_68, %dma_start3A_71] : memref<8192x1024xf32, #tpu.memory_space<hbm>> -> memref<16x1024xf32, #tpu.memory_space<hbm>>
    tpu.enqueue_dma source(%arg6 : memref<16x1024xf32, #tpu.memory_space<vmem>>) target(%dma_start3A_72 : memref<16x1024xf32, #tpu.memory_space<hbm>>) target_semaphore(%arg9 : memref<!tpu.dma_semaphore, #tpu.memory_space<semaphore_mem>>)
    %add3A_73 = arith.constant 112 : i32
    %add3A_74 = arith.addi %mul3A_2, %add3A_73 : i32
    %dma_start3A_75 = arith.constant 0 : i32
    %dma_start3A_76 = tpu.memref_slice %arg4[%add3A_74, %dma_start3A_75] : memref<8192x1024xf32, #tpu.memory_space<hbm>> -> memref<16x1024xf32, #tpu.memory_space<hbm>>
    %dma_start3A_77 = arith.constant 0 : i32
    %dma_start3A_78 = tpu.memref_slice %arg4[%add3A_74, %dma_start3A_77] : memref<8192x1024xf32, #tpu.memory_space<hbm>> -> memref<16x1024xf32, #tpu.memory_space<hbm>>
    tpu.enqueue_dma source(%arg7 : memref<16x1024xf32, #tpu.memory_space<vmem>>) target(%dma_start3A_78 : memref<16x1024xf32, #tpu.memory_space<hbm>>) target_semaphore(%arg11 : memref<!tpu.dma_semaphore, #tpu.memory_space<semaphore_mem>>)
    %add3A_79 = arith.constant 128 : i32
    %add3A_80 = arith.addi %mul3A_2, %add3A_79 : i32
    %dma_start3A_81 = arith.constant 0 : i32
    %dma_start3A_82 = tpu.memref_slice %arg4[%add3A_80, %dma_start3A_81] : memref<8192x1024xf32, #tpu.memory_space<hbm>> -> memref<16x1024xf32, #tpu.memory_space<hbm>>
    %dma_start3A_83 = arith.constant 0 : i32
    %dma_start3A_84 = tpu.memref_slice %arg4[%add3A_80, %dma_start3A_83] : memref<8192x1024xf32, #tpu.memory_space<hbm>> -> memref<16x1024xf32, #tpu.memory_space<hbm>>
    tpu.enqueue_dma source(%arg6 : memref<16x1024xf32, #tpu.memory_space<vmem>>) target(%dma_start3A_84 : memref<16x1024xf32, #tpu.memory_space<hbm>>) target_semaphore(%arg9 : memref<!tpu.dma_semaphore, #tpu.memory_space<semaphore_mem>>)
    %add3A_85 = arith.constant 160 : i32
    %add3A_86 = arith.addi %mul3A_2, %add3A_85 : i32
    %dma_start3A_87 = arith.constant 0 : i32
    %dma_start3A_88 = tpu.memref_slice %arg4[%add3A_86, %dma_start3A_87] : memref<8192x1024xf32, #tpu.memory_space<hbm>> -> memref<16x1024xf32, #tpu.memory_space<hbm>>
    %dma_start3A_89 = arith.constant 0 : i32
    %dma_start3A_90 = tpu.memref_slice %arg4[%add3A_86, %dma_start3A_89] : memref<8192x1024xf32, #tpu.memory_space<hbm>> -> memref<16x1024xf32, #tpu.memory_space<hbm>>
    tpu.enqueue_dma source(%arg7 : memref<16x1024xf32, #tpu.memory_space<vmem>>) target(%dma_start3A_90 : memref<16x1024xf32, #tpu.memory_space<hbm>>) target_semaphore(%arg11 : memref<!tpu.dma_semaphore, #tpu.memory_space<semaphore_mem>>)
    %add3A_91 = arith.constant 176 : i32
    %add3A_92 = arith.addi %mul3A_2, %add3A_91 : i32
    %dma_start3A_93 = arith.constant 0 : i32
    %dma_start3A_94 = tpu.memref_slice %arg4[%add3A_92, %dma_start3A_93] : memref<8192x1024xf32, #tpu.memory_space<hbm>> -> memref<16x1024xf32, #tpu.memory_space<hbm>>
    %dma_start3A_95 = arith.constant 0 : i32
    %dma_start3A_96 = tpu.memref_slice %arg4[%add3A_92, %dma_start3A_95] : memref<8192x1024xf32, #tpu.memory_space<hbm>> -> memref<16x1024xf32, #tpu.memory_space<hbm>>
    tpu.enqueue_dma source(%arg6 : memref<16x1024xf32, #tpu.memory_space<vmem>>) target(%dma_start3A_96 : memref<16x1024xf32, #tpu.memory_space<hbm>>) target_semaphore(%arg9 : memref<!tpu.dma_semaphore, #tpu.memory_space<semaphore_mem>>)
    %add3A_97 = arith.constant 208 : i32
    %add3A_98 = arith.addi %mul3A_2, %add3A_97 : i32
    %dma_start3A_99 = arith.constant 0 : i32
    %dma_start3A_100 = tpu.memref_slice %arg4[%add3A_98, %dma_start3A_99] : memref<8192x1024xf32, #tpu.memory_space<hbm>> -> memref<16x1024xf32, #tpu.memory_space<hbm>>
    %dma_start3A_101 = arith.constant 0 : i32
    %dma_start3A_102 = tpu.memref_slice %arg4[%add3A_98, %dma_start3A_101] : memref<8192x1024xf32, #tpu.memory_space<hbm>> -> memref<16x1024xf32, #tpu.memory_space<hbm>>
    tpu.enqueue_dma source(%arg7 : memref<16x1024xf32, #tpu.memory_space<vmem>>) target(%dma_start3A_102 : memref<16x1024xf32, #tpu.memory_space<hbm>>) target_semaphore(%arg11 : memref<!tpu.dma_semaphore, #tpu.memory_space<semaphore_mem>>)
    %add3A_103 = arith.constant 224 : i32
    %add3A_104 = arith.addi %mul3A_2, %add3A_103 : i32
    %dma_start3A_105 = arith.constant 0 : i32
    %dma_start3A_106 = tpu.memref_slice %arg4[%add3A_104, %dma_start3A_105] : memref<8192x1024xf32, #tpu.memory_space<hbm>> -> memref<16x1024xf32, #tpu.memory_space<hbm>>
    %dma_start3A_107 = arith.constant 0 : i32
    %dma_start3A_108 = tpu.memref_slice %arg4[%add3A_104, %dma_start3A_107] : memref<8192x1024xf32, #tpu.memory_space<hbm>> -> memref<16x1024xf32, #tpu.memory_space<hbm>>
    tpu.enqueue_dma source(%arg6 : memref<16x1024xf32, #tpu.memory_space<vmem>>) target(%dma_start3A_108 : memref<16x1024xf32, #tpu.memory_space<hbm>>) target_semaphore(%arg9 : memref<!tpu.dma_semaphore, #tpu.memory_space<semaphore_mem>>)
    %dma_wait3A = arith.constant 0 : i32
    %dma_wait3A_109 = tpu.memref_slice %arg4[%add3A_6, %dma_wait3A] : memref<8192x1024xf32, #tpu.memory_space<hbm>> -> memref<16x1024xf32, #tpu.memory_space<hbm>>
    %dma_wait3A_110 = arith.constant 0 : i32
    %dma_wait3A_111 = arith.constant 0 : i32
    %dma_wait3A_112 = tpu.memref_slice %arg8[%dma_wait3A_110, %dma_wait3A_111] : memref<256x1024xf32, #tpu.memory_space<vmem_shared>> -> memref<16x1024xf32, #tpu.memory_space<vmem_shared>>
    tpu.wait_dma2 semaphore(%arg10 : memref<!tpu.dma_semaphore, #tpu.memory_space<semaphore_mem>>) src(%dma_wait3A_112 : memref<16x1024xf32, #tpu.memory_space<vmem_shared>>) dst(%dma_wait3A_109 : memref<16x1024xf32, #tpu.memory_space<hbm>>)
    %dma_wait3A_113 = arith.constant 0 : i32
    %dma_wait3A_114 = tpu.memref_slice %arg4[%add3A_12, %dma_wait3A_113] : memref<8192x1024xf32, #tpu.memory_space<hbm>> -> memref<16x1024xf32, #tpu.memory_space<hbm>>
    %dma_wait3A_115 = arith.constant 0 : i32
    %dma_wait3A_116 = arith.constant 0 : i32
    %dma_wait3A_117 = tpu.memref_slice %arg8[%dma_wait3A_115, %dma_wait3A_116] : memref<256x1024xf32, #tpu.memory_space<vmem_shared>> -> memref<16x1024xf32, #tpu.memory_space<vmem_shared>>
    tpu.wait_dma2 semaphore(%arg10 : memref<!tpu.dma_semaphore, #tpu.memory_space<semaphore_mem>>) src(%dma_wait3A_117 : memref<16x1024xf32, #tpu.memory_space<vmem_shared>>) dst(%dma_wait3A_114 : memref<16x1024xf32, #tpu.memory_space<hbm>>)
    %dma_wait3A_118 = arith.constant 0 : i32
    %dma_wait3A_119 = tpu.memref_slice %arg4[%add3A_19, %dma_wait3A_118] : memref<8192x1024xf32, #tpu.memory_space<hbm>> -> memref<16x1024xf32, #tpu.memory_space<hbm>>
    %dma_wait3A_120 = arith.constant 0 : i32
    %dma_wait3A_121 = arith.constant 0 : i32
    %dma_wait3A_122 = tpu.memref_slice %arg8[%dma_wait3A_120, %dma_wait3A_121] : memref<256x1024xf32, #tpu.memory_space<vmem_shared>> -> memref<16x1024xf32, #tpu.memory_space<vmem_shared>>
    tpu.wait_dma2 semaphore(%arg10 : memref<!tpu.dma_semaphore, #tpu.memory_space<semaphore_mem>>) src(%dma_wait3A_122 : memref<16x1024xf32, #tpu.memory_space<vmem_shared>>) dst(%dma_wait3A_119 : memref<16x1024xf32, #tpu.memory_space<hbm>>)
    %dma_wait3A_123 = arith.constant 0 : i32
    %dma_wait3A_124 = tpu.memref_slice %arg4[%add3A_26, %dma_wait3A_123] : memref<8192x1024xf32, #tpu.memory_space<hbm>> -> memref<16x1024xf32, #tpu.memory_space<hbm>>
    %dma_wait3A_125 = arith.constant 0 : i32
    %dma_wait3A_126 = arith.constant 0 : i32
    %dma_wait3A_127 = tpu.memref_slice %arg8[%dma_wait3A_125, %dma_wait3A_126] : memref<256x1024xf32, #tpu.memory_space<vmem_shared>> -> memref<16x1024xf32, #tpu.memory_space<vmem_shared>>
    tpu.wait_dma2 semaphore(%arg10 : memref<!tpu.dma_semaphore, #tpu.memory_space<semaphore_mem>>) src(%dma_wait3A_127 : memref<16x1024xf32, #tpu.memory_space<vmem_shared>>) dst(%dma_wait3A_124 : memref<16x1024xf32, #tpu.memory_space<hbm>>)
    %dma_wait3A_128 = arith.constant 0 : i32
    %dma_wait3A_129 = tpu.memref_slice %arg4[%add3A_33, %dma_wait3A_128] : memref<8192x1024xf32, #tpu.memory_space<hbm>> -> memref<16x1024xf32, #tpu.memory_space<hbm>>
    %dma_wait3A_130 = arith.constant 0 : i32
    %dma_wait3A_131 = arith.constant 0 : i32
    %dma_wait3A_132 = tpu.memref_slice %arg8[%dma_wait3A_130, %dma_wait3A_131] : memref<256x1024xf32, #tpu.memory_space<vmem_shared>> -> memref<16x1024xf32, #tpu.memory_space<vmem_shared>>
    tpu.wait_dma2 semaphore(%arg10 : memref<!tpu.dma_semaphore, #tpu.memory_space<semaphore_mem>>) src(%dma_wait3A_132 : memref<16x1024xf32, #tpu.memory_space<vmem_shared>>) dst(%dma_wait3A_129 : memref<16x1024xf32, #tpu.memory_space<hbm>>)
    %dma_wait3A_133 = arith.constant 0 : i32
    %dma_wait3A_134 = tpu.memref_slice %arg4[%add3A_44, %dma_wait3A_133] : memref<8192x1024xf32, #tpu.memory_space<hbm>> -> memref<16x1024xf32, #tpu.memory_space<hbm>>
    %dma_wait3A_135 = arith.constant 0 : i32
    %dma_wait3A_136 = tpu.memref_slice %arg4[%add3A_44, %dma_wait3A_135] : memref<8192x1024xf32, #tpu.memory_space<hbm>> -> memref<16x1024xf32, #tpu.memory_space<hbm>>
    tpu.wait_dma2 semaphore(%arg9 : memref<!tpu.dma_semaphore, #tpu.memory_space<semaphore_mem>>) src(%arg6 : memref<16x1024xf32, #tpu.memory_space<vmem>>) dst(%dma_wait3A_136 : memref<16x1024xf32, #tpu.memory_space<hbm>>)
    %dma_wait3A_137 = arith.constant 0 : i32
    %dma_wait3A_138 = tpu.memref_slice %arg4[%add3A_50, %dma_wait3A_137] : memref<8192x1024xf32, #tpu.memory_space<hbm>> -> memref<16x1024xf32, #tpu.memory_space<hbm>>
    %dma_wait3A_139 = arith.constant 0 : i32
    %dma_wait3A_140 = tpu.memref_slice %arg4[%add3A_50, %dma_wait3A_139] : memref<8192x1024xf32, #tpu.memory_space<hbm>> -> memref<16x1024xf32, #tpu.memory_space<hbm>>
    tpu.wait_dma2 semaphore(%arg11 : memref<!tpu.dma_semaphore, #tpu.memory_space<semaphore_mem>>) src(%arg7 : memref<16x1024xf32, #tpu.memory_space<vmem>>) dst(%dma_wait3A_140 : memref<16x1024xf32, #tpu.memory_space<hbm>>)
    %dma_wait3A_141 = arith.constant 0 : i32
    %dma_wait3A_142 = tpu.memref_slice %arg4[%add3A_56, %dma_wait3A_141] : memref<8192x1024xf32, #tpu.memory_space<hbm>> -> memref<16x1024xf32, #tpu.memory_space<hbm>>
    %dma_wait3A_143 = arith.constant 0 : i32
    %dma_wait3A_144 = tpu.memref_slice %arg4[%add3A_56, %dma_wait3A_143] : memref<8192x1024xf32, #tpu.memory_space<hbm>> -> memref<16x1024xf32, #tpu.memory_space<hbm>>
    tpu.wait_dma2 semaphore(%arg9 : memref<!tpu.dma_semaphore, #tpu.memory_space<semaphore_mem>>) src(%arg6 : memref<16x1024xf32, #tpu.memory_space<vmem>>) dst(%dma_wait3A_144 : memref<16x1024xf32, #tpu.memory_space<hbm>>)
    %dma_wait3A_145 = arith.constant 0 : i32
    %dma_wait3A_146 = tpu.memref_slice %arg4[%add3A_62, %dma_wait3A_145] : memref<8192x1024xf32, #tpu.memory_space<hbm>> -> memref<16x1024xf32, #tpu.memory_space<hbm>>
    %dma_wait3A_147 = arith.constant 0 : i32
    %dma_wait3A_148 = tpu.memref_slice %arg4[%add3A_62, %dma_wait3A_147] : memref<8192x1024xf32, #tpu.memory_space<hbm>> -> memref<16x1024xf32, #tpu.memory_space<hbm>>
    tpu.wait_dma2 semaphore(%arg11 : memref<!tpu.dma_semaphore, #tpu.memory_space<semaphore_mem>>) src(%arg7 : memref<16x1024xf32, #tpu.memory_space<vmem>>) dst(%dma_wait3A_148 : memref<16x1024xf32, #tpu.memory_space<hbm>>)
    %dma_wait3A_149 = arith.constant 0 : i32
    %dma_wait3A_150 = tpu.memref_slice %arg4[%add3A_68, %dma_wait3A_149] : memref<8192x1024xf32, #tpu.memory_space<hbm>> -> memref<16x1024xf32, #tpu.memory_space<hbm>>
    %dma_wait3A_151 = arith.constant 0 : i32
    %dma_wait3A_152 = tpu.memref_slice %arg4[%add3A_68, %dma_wait3A_151] : memref<8192x1024xf32, #tpu.memory_space<hbm>> -> memref<16x1024xf32, #tpu.memory_space<hbm>>
    tpu.wait_dma2 semaphore(%arg9 : memref<!tpu.dma_semaphore, #tpu.memory_space<semaphore_mem>>) src(%arg6 : memref<16x1024xf32, #tpu.memory_space<vmem>>) dst(%dma_wait3A_152 : memref<16x1024xf32, #tpu.memory_space<hbm>>)
    %dma_wait3A_153 = arith.constant 0 : i32
    %dma_wait3A_154 = tpu.memref_slice %arg4[%add3A_74, %dma_wait3A_153] : memref<8192x1024xf32, #tpu.memory_space<hbm>> -> memref<16x1024xf32, #tpu.memory_space<hbm>>
    %dma_wait3A_155 = arith.constant 0 : i32
    %dma_wait3A_156 = tpu.memref_slice %arg4[%add3A_74, %dma_wait3A_155] : memref<8192x1024xf32, #tpu.memory_space<hbm>> -> memref<16x1024xf32, #tpu.memory_space<hbm>>
    tpu.wait_dma2 semaphore(%arg11 : memref<!tpu.dma_semaphore, #tpu.memory_space<semaphore_mem>>) src(%arg7 : memref<16x1024xf32, #tpu.memory_space<vmem>>) dst(%dma_wait3A_156 : memref<16x1024xf32, #tpu.memory_space<hbm>>)
    %dma_wait3A_157 = arith.constant 0 : i32
    %dma_wait3A_158 = tpu.memref_slice %arg4[%add3A_80, %dma_wait3A_157] : memref<8192x1024xf32, #tpu.memory_space<hbm>> -> memref<16x1024xf32, #tpu.memory_space<hbm>>
    %dma_wait3A_159 = arith.constant 0 : i32
    %dma_wait3A_160 = tpu.memref_slice %arg4[%add3A_80, %dma_wait3A_159] : memref<8192x1024xf32, #tpu.memory_space<hbm>> -> memref<16x1024xf32, #tpu.memory_space<hbm>>
    tpu.wait_dma2 semaphore(%arg9 : memref<!tpu.dma_semaphore, #tpu.memory_space<semaphore_mem>>) src(%arg6 : memref<16x1024xf32, #tpu.memory_space<vmem>>) dst(%dma_wait3A_160 : memref<16x1024xf32, #tpu.memory_space<hbm>>)
    %dma_wait3A_161 = arith.constant 0 : i32
    %dma_wait3A_162 = tpu.memref_slice %arg4[%add3A_86, %dma_wait3A_161] : memref<8192x1024xf32, #tpu.memory_space<hbm>> -> memref<16x1024xf32, #tpu.memory_space<hbm>>
    %dma_wait3A_163 = arith.constant 0 : i32
    %dma_wait3A_164 = tpu.memref_slice %arg4[%add3A_86, %dma_wait3A_163] : memref<8192x1024xf32, #tpu.memory_space<hbm>> -> memref<16x1024xf32, #tpu.memory_space<hbm>>
    tpu.wait_dma2 semaphore(%arg11 : memref<!tpu.dma_semaphore, #tpu.memory_space<semaphore_mem>>) src(%arg7 : memref<16x1024xf32, #tpu.memory_space<vmem>>) dst(%dma_wait3A_164 : memref<16x1024xf32, #tpu.memory_space<hbm>>)
    %dma_wait3A_165 = arith.constant 0 : i32
    %dma_wait3A_166 = tpu.memref_slice %arg4[%add3A_92, %dma_wait3A_165] : memref<8192x1024xf32, #tpu.memory_space<hbm>> -> memref<16x1024xf32, #tpu.memory_space<hbm>>
    %dma_wait3A_167 = arith.constant 0 : i32
    %dma_wait3A_168 = tpu.memref_slice %arg4[%add3A_92, %dma_wait3A_167] : memref<8192x1024xf32, #tpu.memory_space<hbm>> -> memref<16x1024xf32, #tpu.memory_space<hbm>>
    tpu.wait_dma2 semaphore(%arg9 : memref<!tpu.dma_semaphore, #tpu.memory_space<semaphore_mem>>) src(%arg6 : memref<16x1024xf32, #tpu.memory_space<vmem>>) dst(%dma_wait3A_168 : memref<16x1024xf32, #tpu.memory_space<hbm>>)
    %dma_wait3A_169 = arith.constant 0 : i32
    %dma_wait3A_170 = tpu.memref_slice %arg4[%add3A_98, %dma_wait3A_169] : memref<8192x1024xf32, #tpu.memory_space<hbm>> -> memref<16x1024xf32, #tpu.memory_space<hbm>>
    %dma_wait3A_171 = arith.constant 0 : i32
    %dma_wait3A_172 = tpu.memref_slice %arg4[%add3A_98, %dma_wait3A_171] : memref<8192x1024xf32, #tpu.memory_space<hbm>> -> memref<16x1024xf32, #tpu.memory_space<hbm>>
    tpu.wait_dma2 semaphore(%arg11 : memref<!tpu.dma_semaphore, #tpu.memory_space<semaphore_mem>>) src(%arg7 : memref<16x1024xf32, #tpu.memory_space<vmem>>) dst(%dma_wait3A_172 : memref<16x1024xf32, #tpu.memory_space<hbm>>)
    %dma_wait3A_173 = arith.constant 0 : i32
    %dma_wait3A_174 = tpu.memref_slice %arg4[%add3A_104, %dma_wait3A_173] : memref<8192x1024xf32, #tpu.memory_space<hbm>> -> memref<16x1024xf32, #tpu.memory_space<hbm>>
    %dma_wait3A_175 = arith.constant 0 : i32
    %dma_wait3A_176 = tpu.memref_slice %arg4[%add3A_104, %dma_wait3A_175] : memref<8192x1024xf32, #tpu.memory_space<hbm>> -> memref<16x1024xf32, #tpu.memory_space<hbm>>
    tpu.wait_dma2 semaphore(%arg9 : memref<!tpu.dma_semaphore, #tpu.memory_space<semaphore_mem>>) src(%arg6 : memref<16x1024xf32, #tpu.memory_space<vmem>>) dst(%dma_wait3A_176 : memref<16x1024xf32, #tpu.memory_space<hbm>>)
    return
  }
}

</mosaic_0001>

<sc_bundles>
// kernel: kernel.3.cloned.1.call-start
scs
__scs_entry_jumppad:
0x0: {  	(pc) =	sbr.rel $0x88, $3  }
0x1: {  	(tag) =	ssettag $0x0;
	lr =	simm.s32 $0x1  }
0x2: {  	[smem:$0x3F9F] =	sst lr;
	_ =	strace $0xD0000000  }
0x3: {  	_ = 	snop  }
0x4: {  	_ = 	snop  }
0x5: {  	_ = 	snop  }
0x6: {  	_ = 	snop  }
0x7: {  	_ = 	snop  }
__scs_overlays_trampoline_lowered:
0x8: {  	[smem:$0x3FAE] =	sst s0  }
0x9: {  	[smem:$0x3FAF] =	sst s1  }
0xa: {  	[smem:$0x3FB0] =	sst s2  }
0xb: {  	[smem:$0x3FB1] =	sst s3  }
0xc: {  	[smem:$0x3FB2] =	sst s4  }
0xd: {  	[smem:$0x3FB3] =	sst s5  }
0xe: {  	[smem:$0x3FB4] =	sst s6  }
0xf: {  	[smem:$0x3FB5] =	sst s7  }
0x10: {  	[smem:$0x3FB6] =	sst s8  }
0x11: {  	[smem:$0x3FB7] =	sst s9;
	s0 =	simm.s32 @!p0 $0x0  }
0x12: {  	s1 =	sld [smem:$0x3F9D];
	s0 =	simm.s32 @p0 $0x1  }
0x13: {  	[smem:$0x3FB8] =	sst s0;
	s0 =	simm.s32 @!p1 $0x0  }
0x14: {  	s2 =	sld [smem:$0x3F9C];
	s0 =	simm.s32 @p1 $0x1  }
0x15: {  	[smem:$0x3FB9] =	sst s0;
	s0 =	simm.s32 @!p2 $0x0  }
0x16: {  	s3 =	sld [smem:$0x3FDB];
	s0 =	simm.s32 @p2 $0x1  }
0x17: {  	s4 =	simm.s32 $0x1BF5;
	[smem:$0x3FBB] =	sst s0  }
0x18: {  	s0 =	sld [smem:$0x3F9E];
	_ =	swait.ge [sflag:s4], $0x0  }
0x19: {  	s7 =	sld [smem:$0x3F9F]  }
0x1a: {  	s8 =	sadd.s32 $0xFFFFE003, lr  }
0x1b: {  	s9 =	sadd.s32 $0xFFFFFEF7, lr;
	s5 =	simm.s32 $0xFFFFFFFF;
	p2 =	slt.u32 s8, $0xFFFFF086  }
0x1c: {  	p1 =	slt.u32 s9, $0xF7A;
	s5 =	simm.s32 @!p2 $0x0  }
0x1d: {  	s5 =	simm.s32 @p1 $0x1;
	p0 =	seq.s32 s7, s2  }
0x1e: {  	s7 =	smul.u32 @!p0 $0xF7A, s2;
	p2 =	seq.s32 @!p0 s5, $0x0  }
0x1f: {  	s9 =	smul.u32 $0xF7A, s1;
	s8 =	simm.s32 @!p0 $0x1BF5;
	p2 =	por !p2, p0  }
0x20: {  	[sflag:s8] =	ssyncset.s32 @!p0 $0xFFFFF086;
	s6 =	sadd.s32 @!p0 s3, s7;
	s7 =	simm.s32 @!p0 $0x108  }
0x21: {  	s3 =	sadd.s32 s3, s9;
	s6 =	sadd.s32 @!p0 $0x88, s6;
	s7 =	simm.s32 @p2 $0x1082  }
0x22: {  	[simem:s7], [sflag:s8] =	dma.local @!p0 [hbm:s6], $0xF7A  }
0x23: {  	s9 =	sor.u32 $0xD0000000, s2;
	s6 =	simm.s32 $0x108;
	_ =	swait.ge @!p0 [sflag:s8], $0x0  }
0x24: {  	s3 =	sadd.s32 $0x88, s3;
	s6 =	simm.s32 @!p1 $0x1082;
	[sflag:s4] =	ssyncset.s32 $0xFFFFF086  }
0x25: {  	[simem:s6], [sflag:s4] =	dma.local [hbm:s3], $0xF7A  }
0x26: {  	[smem:$0x3F9F] =	sst s1;
	(tag) =	ssettag s2;
	_ =	strace s9  }
0x27: {  	s1 =	sld [smem:$0x3FAF]  }
0x28: {  	s2 =	sld [smem:$0x3FB0]  }
0x29: {  	s4 =	sld [smem:$0x3FB2]  }
0x2a: {  	p0 =	seq.s32 s5, $0x0;
	s5 =	sld [smem:$0x3FB3]  }
0x2b: {  	s6 =	sld [smem:$0x3FB4]  }
0x2c: {  	s7 =	sld [smem:$0x3FB5]  }
0x2d: {  	s3 =	simm.s32 $0x108;
	s8 =	sld [smem:$0x3FB6]  }
0x2e: {  	s3 =	simm.s32 @!p0 $0x1082;
	s9 =	sld [smem:$0x3FB7]  }
0x2f: {  	lr =	sadd.s32 s0, s3;
	s0 =	sld [smem:$0x3FAE]  }
0x30: {  	s3 =	sld [smem:$0x3FB1]  }
0x31: {  	[smem:$0x3FBA] =	sst s10  }
0x32: {  	s10 =	sld [smem:$0x3FB8];
	_ =	sdelay $0x3  }
0x33: {  	p0 =	seq.s32 s10, $0x1;
	s10 =	sld [smem:$0x3FBA];
	_ =	sdelay $0x3  }
0x34: {  	[smem:$0x3FBA] =	sst s10  }
0x35: {  	s10 =	sld [smem:$0x3FB9];
	_ =	sdelay $0x3  }
0x36: {  	p1 =	seq.s32 s10, $0x1;
	s10 =	sld [smem:$0x3FBA];
	_ =	sdelay $0x3  }
0x37: {  	[smem:$0x3FBA] =	sst s10  }
0x38: {  	s10 =	sld [smem:$0x3FBB]  }
0x39: {  	_ = 	snop;
	(pc) =	sbr.ind lr, $3  }
0x3a: {  	_ = 	snop  }
0x3b: {  	_ = 	snop  }
0x3c: {  	p2 =	seq.s32 s10, $0x1;
	s10 =	sld [smem:$0x3FBA]  }
0x3d: {  	_ =	shalt  }
0x3e: {  	_ =	shalt  }
0x3f: {  	_ =	shalt  }
0x40: {  	_ =	shalt  }
0x41: {  	_ =	shalt  }
0x42: {  	_ =	shalt  }
0x43: {  	_ =	shalt  }
0x44: {  	_ =	shalt  }
0x45: {  	_ =	shalt  }
0x46: {  	_ =	shalt  }
0x47: {  	_ =	shalt  }
0x48: {  	_ =	shalt  }
0x49: {  	_ =	shalt  }
0x4a: {  	_ =	shalt  }
0x4b: {  	_ =	shalt  }
0x4c: {  	_ =	shalt  }
0x4d: {  	_ =	shalt  }
0x4e: {  	_ =	shalt  }
0x4f: {  	_ =	shalt  }
0x50: {  	_ =	shalt  }
0x51: {  	_ =	shalt  }
0x52: {  	_ =	shalt  }
0x53: {  	_ =	shalt  }
0x54: {  	_ =	shalt  }
0x55: {  	_ =	shalt  }
0x56: {  	_ =	shalt  }
0x57: {  	_ =	shalt  }
0x58: {  	_ =	shalt  }
0x59: {  	_ =	shalt  }
0x5a: {  	_ =	shalt  }
0x5b: {  	_ =	shalt  }
0x5c: {  	_ =	shalt  }
0x5d: {  	_ =	shalt  }
0x5e: {  	_ =	shalt  }
0x5f: {  	_ =	shalt  }
0x60: {  	_ =	shalt  }
0x61: {  	_ =	shalt  }
0x62: {  	_ =	shalt  }
0x63: {  	_ =	shalt  }
0x64: {  	_ =	shalt  }
0x65: {  	_ =	shalt  }
0x66: {  	_ =	shalt  }
0x67: {  	_ =	shalt  }
0x68: {  	_ =	shalt  }
0x69: {  	_ =	shalt  }
0x6a: {  	_ =	shalt  }
0x6b: {  	_ =	shalt  }
0x6c: {  	_ =	shalt  }
0x6d: {  	_ =	shalt  }
0x6e: {  	_ =	shalt  }
0x6f: {  	_ =	shalt  }
0x70: {  	_ =	shalt  }
0x71: {  	_ =	shalt  }
0x72: {  	_ =	shalt  }
0x73: {  	_ =	shalt  }
0x74: {  	_ =	shalt  }
0x75: {  	_ =	shalt  }
0x76: {  	_ =	shalt  }
0x77: {  	_ =	shalt  }
0x78: {  	_ =	shalt  }
0x79: {  	_ =	shalt  }
0x7a: {  	_ =	shalt  }
0x7b: {  	_ =	shalt  }
0x7c: {  	_ =	shalt  }
0x7d: {  	_ =	shalt  }
0x7e: {  	_ =	shalt  }
0x7f: {  	_ =	shalt  }
0x80: {  	_ =	shalt  }
0x81: {  	_ =	shalt  }
0x82: {  	_ =	shalt  }
0x83: {  	_ =	shalt  }
0x84: {  	_ =	shalt  }
0x85: {  	_ =	shalt  }
0x86: {  	_ =	shalt  }
0x87: {  	_ =	shalt  }
.Lfunc_end0:
.L_simem_size_0:
called_computation_lowered:
.L_overlay_start_0:
0x88: {  	s2 =	sld [smem:$0x3FD9]  }
0x89: {  	s3 =	sld [smem:$0x3FFE];
	_ =	sdelay $0x1  }
0x8a: {  	s1 =	srdreg.scid  }
0x8b: {  	s0 =	sand.u32 $0x1, s1  }
0x8c: {  	s17 =	sshll.u32 s0, $0xA;
	s2 =	sadd.s32 s3, s2  }
0x8d: {  	s2 =	sadd.s32 s2, s17  }
0x8e: {  	[smem:$0x3FC6] =	sst s2  }
0x8f: {  	_ = 	snop  }
0x90: {  	s2 =	sld [smem:$0x3FC9]  }
0x91: {  	s18 =	sld [smem:$0x3FD0];
	(tm) =	ssettm $0x1  }
0x92: {  	s4 =	sld [smem:$0x3FFB];
	_ =	sdelay $0x3  }
0x93: {  	_ =	strace s4  }
0x94: {  	s4 =	sld [smem:$0x3FFC];
	_ =	sdelay $0x3  }
0x95: {  	_ =	strace s4  }
0x96: {  	s4 =	sld [smem:$0x3FFD];
	_ =	sdelay $0x3  }
0x97: {  	_ =	strace s4  }
0x98: {  	_ =	strace $0x8FFFFFFF  }
0x99: {  	s19 =	sld [smem:$0x3FDB];
	_ =	sdelay $0x1  }
0x9a: {  	s5 =	simm.s32 $_scs_section_size  }
0x9b: {  	s6 =	simm.s32 $_size__tile_overlayer_lowered;
	s7 =	simm.s32 $_tile_overlayer_lowered  }
0x9c: {  	s22 =	simm.s32 $0x1BFF;
	s21 =	sshll.u32 s7, $0x1;
	s4 =	sadd.s32 s5, s19  }
0x9d: {  	s8 =	simm.s32 $0x0;
	s20 =	sshll.u32 s6, $0x1;
	s6 =	sadd.s32 s21, s4  }
0x9e: {  	[timem:s8], [sflag:s22] =	dma.local [hbm:s6], s20  }
0x9f: {  	_ =	swait.ge [sflag:s22], s20  }
0xa0: {  	s5 =	ssub.s32 $0x0, s20;
	[sflag:s22] =	ssyncset.done $0x0  }
0xa1: {  	[sflag:s22] =	ssyncadd.s32 s5;
	_ =	sdelay $0x1  }
0xa2: {  	s23 =	simm.s32 $0x1B8B  }
0xa3: {  	_ =	swait.ge [sflag:s23], $0x1  }
0xa4: {  	[sflag:s23] =	ssyncset.done $0x0  }
0xa5: {  	s25 =	simm.s32 $0x1B8E;
	s24 =	sld [smem:$0x3FFE];
	[sflag:s23] =	ssyncadd.s32 $0xFFFFFFFF  }
0xa6: {  	s26 =	simm.s32 $execute0_lowered;
	[smem:$0x3FD2] =	sst s25  }
0xa7: {  	s6 =	sshll.u32 s26, $0x1;
	_ =	strace $0x80000046;
	[dreg:$0x1] =	wrdreg $0xFFFFFFFF  }
0xa8: {  	s28 =	simm.s32 $_size_execute0_lowered;
	s4 =	sadd.s32 s4, s6;
	[dreg:$0x0] =	wrdreg $0x0  }
0xa9: {  	s6 =	sshll.u32 s28, $0x1;
	[dreg:$0x2] =	wrdreg s4  }
0xaa: {  	[dreg:$0x3] =	wrdreg s6  }
0xab: {  	[dreg:$0x4] =	wrdreg $0xC0  }
0xac: {  	_ =	task [dreg:s8], $0x5FFFF  }
0xad: {  	[dreg:$0x1] =	wrdreg $0xFFFFFFFF  }
0xae: {  	[dreg:$0x0] =	wrdreg $0x60  }
0xaf: {  	[dreg:$0x2] =	wrdreg s2  }
0xb0: {  	[dreg:$0x3] =	wrdreg s24  }
0xb1: {  	[dreg:$0x4] =	wrdreg s18  }
0xb2: {  	[dreg:$0x5] =	wrdreg $0x80800  }
0xb3: {  	[dreg:$0x6] =	wrdreg $0x9  }
0xb4: {  	_ =	task.clear_ibuf [dreg:s8], $0x7FFFF;
	_ =	strace $0x90000046  }
0xb5: {  	s29 =	simm.s32 $0x9;
	_ =	strace $0x80000048  }
0xb6: {  	_ =	swait.ge [sflag:s29], $0x1  }
0xb7: {  	[sflag:s29] =	ssyncadd.s32 $0xFFFFFFFF  }
0xb8: {  	_ =	strace $0x90000048  }
0xb9: {  	_ =	sfence  }
0xba: {  	s30 =	sld [smem:$0x0];
	_ =	sdelay $0x2  }
0xbb: {  	s31 =	sshll.u32 s1, $0xD;
	s1 =	sshrl.u32 s1, $0x2  }
0xbc: {  	s3 =	sand.u32 $0x4000, s31;
	s1 =	sadd.s32 s1, s30  }
0xbd: {  	s0 =	sor.u32 s3, s0;
	s1 =	sshll.u32 s1, $0x11  }
0xbe: {  	s0 =	sor.u32 s1, s0  }
0xbf: {  	s0 =	sadd.s32 $0x8F2B, s0  }
0xc0: {  	[sflag:s0] =	ssyncadd.remote.s32 $0x1  }
0xc1: {  	_ =	sfence.sel $0xFFFF  }
0xc2: {  	[dreg:$0x0] =	wrdreg $0xFFFFFFFF;
	(pc) =	sbr.abs _section_cstart, $3  }
0xc3: {  	[dreg:$0x1] =	wrdreg $0xFFFFFFFF  }
0xc4: {  	_ =	task.clear_ibuf [dreg:s8], $0x2FFFF;
	_ =	strace $0x9FFFFFFF  }
0xc5: {  	(tm) =	ssettm $0x7FFFFFFF  }
tec
execute0_lowered:
.L_overlay_start_1:
0x0: {  	(tag) =	ssettag $0x1  }
0x1: {  	s10 =	rddreg [dreg:$0x0]  }
0x2: {  	s0 =	rddreg [dreg:$0x1]  }
0x3: {  	s2 =	rddreg [dreg:$0x2]  }
0x4: {  	s4 =	rddreg [dreg:$0x3];
	s1 =	srdreg.scid  }
0x5: {  	s22 =	rddreg [dreg:$0x4];
	s3 =	stileid.u32  }
0x6: {  	s11 =	simm.s32 $0x4080;
	s13 =	simm.s32 $0x4;
	s12 =	simm.s32 $0x80  }
0x7: {  	p2 =	por $0x0, $0x0;
	s6 =	sand.u32 $0x1, s1;
	s1 =	simm.s32 $0x0  }
0x8: {  	s7 =	sshll.u32 s3, $0xF;
	s0 =	sadd.s32 $0x400, s0;
	p0 =	sne.s32 s3, $0x0  }
0x9: {  	p1 =	seq.s32 s3, $0x0;
	s31 =	sshll.u32 s3, $0x6;
	s3 =	simm.s32 $0x3  }
0xa: {  	s5 =	sshll.u32 s6, $0x13;
	[smem:$0x7FF] =	sst s1;
	s23 =	ssub.s32 $0x2, s6  }
0xb: {  	s14 =	sor.u32 $0x1C02, s31;
	s5 =	sor.u32 s7, s5;
	_ =	strace $0x80000047  }
0xc: {  	[dreg:$0x5] =	wrdreg s0;
	s6 =	sshrl.u32 s23, $0x1;
	s5 =	sadd.s32 s2, s5  }
0xd: {  	s2 =	ssub.s32 s23, s6;
	s23 =	rddreg [dreg:$0x5];
	s15 =	sadd.s32 $0x1800, s5  }
0xe: {  	s6 =	simm.s32 $0x2;
	s16 =	sadd.s32 $0x3000, s5;
	[dreg:$0x6] =	wrdreg s15  }
0xf: {  	s17 =	sadd.s32 $0x4800, s5;
	s18 =	sadd.s32 $0x6000, s5;
	[dreg:$0x7] =	wrdreg s16  }
0x10: {  	s19 =	sadd.s32 $0x7800, s5;
	s20 =	sadd.s32 $0x800, s5;
	[dreg:$0x8] =	wrdreg s17  }
0x11: {  	s21 =	sadd.s32 $0x1000, s5;
	s24 =	sadd.s32 $0x2000, s5;
	[dreg:$0x9] =	wrdreg s18  }
0x12: {  	s25 =	sadd.s32 $0x2800, s5;
	s30 =	smax.u32 s2, $0x1;
	[dreg:$0xa] =	wrdreg s19  }
0x13: {  	s26 =	sadd.s32 $0x3800, s5;
	[dreg:$0xd] =	wrdreg s24;
	s24 =	sadd.s32 $0xFFFFFFFF, s30  }
0x14: {  	s28 =	sadd.s32 $0x4000, s5;
	[dreg:$0xb] =	wrdreg s20;
	p3 =	sne.s32 s24, $0x0  }
.Ltmp0:
0x15: {  	s29 =	sadd.s32 $0x5000, s5;
	[dreg:$0xc] =	wrdreg s21;
	(pc) =	sbr.rel @!p3 .LBB2_5-.Ltmp0, $4  }
0x16: {  	s7 =	sadd.s32 $0x5800, s5;
	s8 =	sadd.s32 $0x6800, s5;
	[dreg:$0xe] =	wrdreg s25  }
0x17: {  	s9 =	sadd.s32 $0x7000, s5;
	s2 =	simm.s32 $0x1;
	[dreg:$0xf] =	wrdreg s26  }
0x18: {  	s16 =	sadd.s32 $0x80, s10;
	s17 =	sadd.s32 $0x100, s10;
	[dreg:$0x10] =	wrdreg s28  }
0x19: {  	vm0 =	vmmov @!p0 $0xffff;
	s18 =	sadd.s32 $0x180, s10;
	[dreg:$0x11] =	wrdreg s29;
	s15 =	sshrl.u32 s4, $0x3  }
0x1a: {  	s19 =	simm.s32 @!p0 $0x0;
	s20 =	simm.s32 @!p0 $0x4  }
0x1b: {  	[tilespmem:s19], [sflag:$0x4] =	stream.linear.gather @!p0 [hbm4b:s23+s19], $0x80, $0x38;
	[tilespmem:$0xC080] =	vst v63  }
0x1c: {  	_ =	swait.ge @!p0 [sflag:s20], $0x80  }
0x1d: {  	[sflag:s20] =	ssyncset.done @!p0 $0x0  }
0x1e: {  	[sflag:s20] =	ssyncadd.s32 @!p0 $0xFFFFFF80  }
0x1f: {  	v0 =	vld @!p0 [tilespmem:$0x0];
	_ =	sdelay $0x4  }
0x20: {  	v1 =	vshll.u32 @!p0 v0, $0x3  }
0x21: {  	v2 =	vlaneseq.u32 @!p0;
	v0 =	vand.u32 @!p0 $0x3, v0;
	v1 =	vand.u32 @!p0 $0xFFFFFFE0, v1  }
0x22: {  	v3 =	vor.u32 @!p0 v0, v1;
	v0 =	vand.u32 @!p0 $0x7, v2;
	v1 =	vshrl.u32 @!p0 v2, $0x3  }
0x23: {  	v4 =	vperm.xlane @!p0 v3, v0;
	v1 =	vmul.u32 @!p0 $0x4, v1;
	_ =	sdelay $0x1  }
0x24: {  	v4 =	vadd.s32 @!p0 v1, v4;
	_ =	sdelay $0x3  }
0x25: {  	s21 =	simm.s32 @!p0 $0x80  }
0x26: {  	v2 =	vor.u32 @!p0 $0x8, v2;
	[tilespmem:s21], [sflag:$0x1] =	stream.indirect_vreg.gather @!p0 [hbm4b:s10+s19], $0x80, v4, vm0, $0xb8;
	[tilespmem:$0xC080] =	vst v63  }
0x27: {  	s0 =	simm.s32 @!p0 $0x880;
	v3 =	vperm.xlane @!p0 v3, v2  }
0x28: {  	[tilespmem:s0], [sflag:$0x1] =	stream.indirect_vreg.gather @!p0 [hbm4b:s16+s19], $0x80, v4, vm0, $0xb8;
	[tilespmem:$0xC080] =	vst v63  }
0x29: {  	v3 =	vadd.s32 @!p0 v1, v3;
	s0 =	simm.s32 @!p0 $0x1080  }
0x2a: {  	[tilespmem:s0], [sflag:$0x1] =	stream.indirect_vreg.gather @!p0 [hbm4b:s17+s19], $0x80, v4, vm0, $0xb8;
	[tilespmem:$0xC080] =	vst v63  }
0x2b: {  	s0 =	simm.s32 @!p0 $0x1880  }
0x2c: {  	[tilespmem:s0], [sflag:$0x1] =	stream.indirect_vreg.gather @!p0 [hbm4b:s18+s19], $0x80, v4, vm0, $0xb8;
	[tilespmem:$0xC080] =	vst v63  }
0x2d: {  	s25 =	simm.s32 @!p0 $0x2080  }
0x2e: {  	[tilespmem:s25], [sflag:$0x1] =	stream.indirect_vreg.gather @!p0 [hbm4b:s10+s19], $0x80, v3, vm0, $0xb8;
	[tilespmem:$0xC080] =	vst v63  }
0x2f: {  	s26 =	simm.s32 @!p0 $0x2880  }
0x30: {  	[tilespmem:s26], [sflag:$0x1] =	stream.indirect_vreg.gather @!p0 [hbm4b:s16+s19], $0x80, v3, vm0, $0xb8;
	[tilespmem:$0xC080] =	vst v63  }
0x31: {  	s28 =	simm.s32 @!p0 $0x3080  }
0x32: {  	[tilespmem:s28], [sflag:$0x1] =	stream.indirect_vreg.gather @!p0 [hbm4b:s17+s19], $0x80, v3, vm0, $0xb8;
	[tilespmem:$0xC080] =	vst v63  }
0x33: {  	s29 =	simm.s32 @!p0 $0x3880;
	s30 =	simm.s32 @!p0 $0x1  }
0x34: {  	[tilespmem:s29], [sflag:$0x1] =	stream.indirect_vreg.gather @!p0 [hbm4b:s18+s19], $0x80, v3, vm0, $0xb8;
	[tilespmem:$0xC080] =	vst v63  }
0x35: {  	_ =	swait.ge @!p0 [sflag:s30], $0x4000  }
0x36: {  	[sflag:s30] =	ssyncset.done @!p0 $0x0  }
0x37: {  	[sflag:s30] =	ssyncadd.s32 @!p0 $0xFFFFC000  }
0x38: {  	[spmem:s4] =	stream.linear.scatter @!p0 [tilespmem:s21], [sflag:$0x4], $0x4000, $0x38;
	[tilespmem:$0xC080] =	vst v63  }
0x39: {  	_ =	swait.ge @!p0 [sflag:s20], $0x4000  }
0x3a: {  	[sflag:s20] =	ssyncset.done @!p0 $0x0  }
0x3b: {  	[sflag:s20] =	ssyncadd.s32 @!p0 $0xFFFFC000  }
0x3c: {  	[bflag:$0x0] =	sbarrier.arrive $0xFFFF  }
0x3d: {  	s23 =	rddreg [dreg:$0x6]  }
0x3e: {  	[hbm:s23], [sflag:s14] =	dma.local [spmem:s15], $0x800  }
0x3f: {  	s0 =	rddreg [dreg:$0x7]  }
0x40: {  	[hbm:s0], [sflag:s14] =	dma.local [spmem:s15], $0x800  }
0x41: {  	s0 =	rddreg [dreg:$0x8]  }
0x42: {  	[hbm:s0], [sflag:s14] =	dma.local [spmem:s15], $0x800  }
0x43: {  	s0 =	rddreg [dreg:$0x9]  }
0x44: {  	[hbm:s0], [sflag:s14] =	dma.local [spmem:s15], $0x800  }
0x45: {  	s31 =	simm.s32 @!p1 $0x80;
	s0 =	simm.s32 @!p1 $0x4;
	s22 =	rddreg [dreg:$0xa]  }
0x46: {  	[hbm:s22], [sflag:s14] =	dma.local [spmem:s15], $0x800  }
0x47: {  	[tilespmem:s31], [sflag:$0x4] =	stream.linear.gather @!p1 [spmem:s4], $0x4000, $0x38;
	[tilespmem:$0xC080] =	vst v63  }
0x48: {  	_ =	swait.ge @!p1 [sflag:s0], $0x4000  }
0x49: {  	[sflag:s0] =	ssyncset.done @!p1 $0x0  }
0x4a: {  	[sflag:s0] =	ssyncadd.s32 @!p1 $0xFFFFC000  }
0x4b: {  	[tilespmem:s11], [sflag:$0x4] =	stream.linear.gather [spmem:s4], $0x4000, $0x38;
	[tilespmem:$0xC080] =	vst v63  }
0x4c: {  	_ =	swait.ge [sflag:s13], $0x4000  }
0x4d: {  	[sflag:s13] =	ssyncset.done $0x0  }
0x4e: {  	[sflag:s13] =	ssyncadd.s32 $0xFFFFC000  }
0x4f: {  	[hbm4b:s5+s1] =	stream.linear.scatter [tilespmem:s12], [sflag:$0x1], $0x4000, $0x38;
	[tilespmem:$0xC080] =	vst v63  }
0x50: {  	s23 =	rddreg [dreg:$0xb]  }
0x51: {  	[hbm4b:s23+s1] =	stream.linear.scatter [tilespmem:s11], [sflag:$0x3], $0x4000, $0x38;
	[tilespmem:$0xC080] =	vst v63  }
0x52: {  	s22 =	rddreg [dreg:$0xc]  }
0x53: {  	[hbm4b:s22+s1] =	stream.linear.scatter [tilespmem:s12], [sflag:$0x1], $0x4000, $0x38;
	[tilespmem:$0xC080] =	vst v63  }
0x54: {  	s23 =	rddreg [dreg:$0xd]  }
0x55: {  	[hbm4b:s23+s1] =	stream.linear.scatter [tilespmem:s11], [sflag:$0x3], $0x4000, $0x38;
	[tilespmem:$0xC080] =	vst v63  }
0x56: {  	s22 =	rddreg [dreg:$0xe]  }
0x57: {  	[hbm4b:s22+s1] =	stream.linear.scatter [tilespmem:s12], [sflag:$0x1], $0x4000, $0x38;
	[tilespmem:$0xC080] =	vst v63  }
0x58: {  	s23 =	rddreg [dreg:$0xf]  }
0x59: {  	[hbm4b:s23+s1] =	stream.linear.scatter [tilespmem:s11], [sflag:$0x3], $0x4000, $0x38;
	[tilespmem:$0xC080] =	vst v63  }
0x5a: {  	s22 =	rddreg [dreg:$0x10]  }
0x5b: {  	[hbm4b:s22+s1] =	stream.linear.scatter [tilespmem:s12], [sflag:$0x1], $0x4000, $0x38;
	[tilespmem:$0xC080] =	vst v63  }
0x5c: {  	s23 =	rddreg [dreg:$0x11]  }
0x5d: {  	[hbm4b:s23+s1] =	stream.linear.scatter [tilespmem:s11], [sflag:$0x3], $0x4000, $0x38;
	[tilespmem:$0xC080] =	vst v63  }
0x5e: {  	_ = 	snop  }
0x5f: {  	[hbm4b:s7+s1] =	stream.linear.scatter [tilespmem:s12], [sflag:$0x1], $0x4000, $0x38;
	[tilespmem:$0xC080] =	vst v63  }
0x60: {  	_ = 	snop  }
0x61: {  	[hbm4b:s8+s1] =	stream.linear.scatter [tilespmem:s11], [sflag:$0x3], $0x4000, $0x38;
	[tilespmem:$0xC080] =	vst v63  }
0x62: {  	_ = 	snop  }
0x63: {  	[hbm4b:s9+s1] =	stream.linear.scatter [tilespmem:s12], [sflag:$0x1], $0x4000, $0x38;
	[tilespmem:$0xC080] =	vst v63  }
0x64: {  	_ =	swait.ge [sflag:s6], $0x800  }
0x65: {  	[sflag:s6] =	ssyncset.done $0x0  }
0x66: {  	[sflag:s6] =	ssyncadd.s32 $0xFFFFF800  }
0x67: {  	_ =	swait.ge [sflag:s6], $0x800  }
0x68: {  	[sflag:s6] =	ssyncset.done $0x0  }
0x69: {  	[sflag:s6] =	ssyncadd.s32 $0xFFFFF800  }
0x6a: {  	_ =	swait.ge [sflag:s6], $0x800  }
0x6b: {  	[sflag:s6] =	ssyncset.done $0x0  }
0x6c: {  	[sflag:s6] =	ssyncadd.s32 $0xFFFFF800  }
0x6d: {  	_ =	swait.ge [sflag:s6], $0x800  }
0x6e: {  	[sflag:s6] =	ssyncset.done $0x0  }
0x6f: {  	[sflag:s6] =	ssyncadd.s32 $0xFFFFF800  }
0x70: {  	_ =	swait.ge [sflag:s6], $0x800  }
0x71: {  	[sflag:s6] =	ssyncset.done $0x0  }
0x72: {  	[sflag:s6] =	ssyncadd.s32 $0xFFFFF800  }
0x73: {  	_ =	swait.ge [sflag:s2], $0x4000  }
0x74: {  	[sflag:s2] =	ssyncset.done $0x0  }
0x75: {  	[sflag:s2] =	ssyncadd.s32 $0xFFFFC000  }
0x76: {  	_ =	swait.ge [sflag:s3], $0x4000  }
0x77: {  	[sflag:s3] =	ssyncset.done $0x0  }
0x78: {  	[sflag:s3] =	ssyncadd.s32 $0xFFFFC000  }
0x79: {  	_ =	swait.ge [sflag:s2], $0x4000  }
0x7a: {  	[sflag:s2] =	ssyncset.done $0x0  }
0x7b: {  	[sflag:s2] =	ssyncadd.s32 $0xFFFFC000  }
0x7c: {  	_ =	swait.ge [sflag:s3], $0x4000  }
0x7d: {  	[sflag:s3] =	ssyncset.done $0x0  }
0x7e: {  	[sflag:s3] =	ssyncadd.s32 $0xFFFFC000  }
0x7f: {  	_ =	swait.ge [sflag:s2], $0x4000  }
0x80: {  	[sflag:s2] =	ssyncset.done $0x0  }
0x81: {  	[sflag:s2] =	ssyncadd.s32 $0xFFFFC000  }
0x82: {  	_ =	swait.ge [sflag:s3], $0x4000  }
0x83: {  	[sflag:s3] =	ssyncset.done $0x0  }
0x84: {  	[sflag:s3] =	ssyncadd.s32 $0xFFFFC000  }
0x85: {  	_ =	swait.ge [sflag:s2], $0x4000  }
0x86: {  	[sflag:s2] =	ssyncset.done $0x0  }
0x87: {  	[sflag:s2] =	ssyncadd.s32 $0xFFFFC000  }
0x88: {  	_ =	swait.ge [sflag:s3], $0x4000  }
0x89: {  	[sflag:s3] =	ssyncset.done $0x0  }
0x8a: {  	[sflag:s3] =	ssyncadd.s32 $0xFFFFC000  }
0x8b: {  	_ =	swait.ge [sflag:s2], $0x4000  }
0x8c: {  	s22 =	sadd.s32 $0xFFFFFFFF, s24;
	[sflag:s2] =	ssyncset.done $0x0  }
0x8d: {  	p3 =	sne.s32 s22, $0x0;
	[sflag:s2] =	ssyncadd.s32 $0xFFFFC000  }
.Ltmp1:
0x8e: {  	_ =	swait.ge [sflag:s3], $0x4000;
	(pc) =	sbr.rel @!p3 .LBB2_2-.Ltmp1, $4  }
0x8f: {  	[sflag:s3] =	ssyncset.done $0x0  }
0x90: {  	[sflag:s3] =	ssyncadd.s32 $0xFFFFC000  }
0x91: {  	_ =	swait.ge [sflag:s2], $0x4000  }
0x92: {  	p2 =	por $0x1, $0x1;
	s23 =	rddreg [dreg:$0x5];
	[sflag:s2] =	ssyncset.done $0x0  }
.LBB2_3:
0x93: {  	[sflag:s2] =	ssyncadd.s32 $0xFFFFC000  }
0x94: {  	[tilespmem:s19], [sflag:$0x4] =	stream.linear.gather @!p0 [hbm4b:s23+s19], $0x80, $0x38;
	[tilespmem:$0xC080] =	vst v63  }
0x95: {  	_ =	swait.ge @!p0 [sflag:s20], $0x80  }
0x96: {  	[sflag:s20] =	ssyncset.done @!p0 $0x0  }
0x97: {  	[sflag:s20] =	ssyncadd.s32 @!p0 $0xFFFFFF80  }
0x98: {  	v3 =	vld @!p0 [tilespmem:$0x0];
	_ =	sdelay $0x4  }
0x99: {  	v4 =	vshll.u32 @!p0 v3, $0x3  }
0x9a: {  	v3 =	vand.u32 @!p0 $0x3, v3;
	v4 =	vand.u32 @!p0 $0xFFFFFFE0, v4  }
0x9b: {  	v3 =	vor.u32 @!p0 v3, v4  }
0x9c: {  	v4 =	vperm.xlane @!p0 v3, v0;
	_ =	sdelay $0x1  }
0x9d: {  	v4 =	vadd.s32 @!p0 v1, v4;
	_ =	sdelay $0x4  }
0x9e: {  	[tilespmem:s21], [sflag:$0x1] =	stream.indirect_vreg.gather @!p0 [hbm4b:s10+s19], $0x80, v4, vm0, $0xb8;
	[tilespmem:$0xC080] =	vst v63  }
0x9f: {  	s23 =	simm.s32 @!p0 $0x880;
	v3 =	vperm.xlane @!p0 v3, v2  }
0xa0: {  	[tilespmem:s23], [sflag:$0x1] =	stream.indirect_vreg.gather @!p0 [hbm4b:s16+s19], $0x80, v4, vm0, $0xb8;
	[tilespmem:$0xC080] =	vst v63  }
0xa1: {  	v3 =	vadd.s32 @!p0 v1, v3;
	s23 =	simm.s32 @!p0 $0x1080  }
0xa2: {  	[tilespmem:s23], [sflag:$0x1] =	stream.indirect_vreg.gather @!p0 [hbm4b:s17+s19], $0x80, v4, vm0, $0xb8;
	[tilespmem:$0xC080] =	vst v63  }
0xa3: {  	s23 =	simm.s32 @!p0 $0x1880  }
0xa4: {  	[tilespmem:s23], [sflag:$0x1] =	stream.indirect_vreg.gather @!p0 [hbm4b:s18+s19], $0x80, v4, vm0, $0xb8;
	[tilespmem:$0xC080] =	vst v63  }
0xa5: {  	_ = 	snop  }
0xa6: {  	[tilespmem:s25], [sflag:$0x1] =	stream.indirect_vreg.gather @!p0 [hbm4b:s10+s19], $0x80, v3, vm0, $0xb8;
	[tilespmem:$0xC080] =	vst v63  }
0xa7: {  	_ = 	snop  }
0xa8: {  	[tilespmem:s26], [sflag:$0x1] =	stream.indirect_vreg.gather @!p0 [hbm4b:s16+s19], $0x80, v3, vm0, $0xb8;
	[tilespmem:$0xC080] =	vst v63  }
0xa9: {  	_ = 	snop  }
0xaa: {  	[tilespmem:s28], [sflag:$0x1] =	stream.indirect_vreg.gather @!p0 [hbm4b:s17+s19], $0x80, v3, vm0, $0xb8;
	[tilespmem:$0xC080] =	vst v63  }
0xab: {  	_ = 	snop  }
0xac: {  	[tilespmem:s29], [sflag:$0x1] =	stream.indirect_vreg.gather @!p0 [hbm4b:s18+s19], $0x80, v3, vm0, $0xb8;
	[tilespmem:$0xC080] =	vst v63  }
0xad: {  	_ =	swait.ge @!p0 [sflag:s30], $0x4000  }
0xae: {  	[sflag:s30] =	ssyncset.done @!p0 $0x0  }
0xaf: {  	[sflag:s30] =	ssyncadd.s32 @!p0 $0xFFFFC000  }
0xb0: {  	[spmem:s4] =	stream.linear.scatter @!p0 [tilespmem:s21], [sflag:$0x4], $0x4000, $0x38;
	[tilespmem:$0xC080] =	vst v63  }
0xb1: {  	_ =	swait.ge @!p0 [sflag:s20], $0x4000  }
0xb2: {  	[sflag:s20] =	ssyncset.done @!p0 $0x0  }
0xb3: {  	[sflag:s20] =	ssyncadd.s32 @!p0 $0xFFFFC000  }
0xb4: {  	[bflag:$0x0] =	sbarrier.arrive $0xFFFF  }
0xb5: {  	s24 =	rddreg [dreg:$0x6]  }
0xb6: {  	[hbm:s24], [sflag:s14] =	dma.local [spmem:s15], $0x800  }
0xb7: {  	s23 =	rddreg [dreg:$0x7]  }
0xb8: {  	[hbm:s23], [sflag:s14] =	dma.local [spmem:s15], $0x800  }
0xb9: {  	s23 =	rddreg [dreg:$0x8]  }
0xba: {  	[hbm:s23], [sflag:s14] =	dma.local [spmem:s15], $0x800  }
0xbb: {  	s23 =	rddreg [dreg:$0x9]  }
0xbc: {  	[hbm:s23], [sflag:s14] =	dma.local [spmem:s15], $0x800  }
0xbd: {  	s23 =	rddreg [dreg:$0xa]  }
0xbe: {  	[hbm:s23], [sflag:s14] =	dma.local [spmem:s15], $0x800  }
0xbf: {  	[tilespmem:s31], [sflag:$0x4] =	stream.linear.gather @!p1 [spmem:s4], $0x4000, $0x38;
	[tilespmem:$0xC080] =	vst v63  }
0xc0: {  	_ =	swait.ge @!p1 [sflag:s0], $0x4000  }
0xc1: {  	[sflag:s0] =	ssyncset.done @!p1 $0x0  }
0xc2: {  	[sflag:s0] =	ssyncadd.s32 @!p1 $0xFFFFC000  }
0xc3: {  	[tilespmem:s11], [sflag:$0x4] =	stream.linear.gather [spmem:s4], $0x4000, $0x38;
	[tilespmem:$0xC080] =	vst v63  }
0xc4: {  	_ =	swait.ge [sflag:s13], $0x4000  }
0xc5: {  	[sflag:s13] =	ssyncset.done $0x0  }
0xc6: {  	[sflag:s13] =	ssyncadd.s32 $0xFFFFC000  }
0xc7: {  	[hbm4b:s5+s1] =	stream.linear.scatter [tilespmem:s12], [sflag:$0x1], $0x4000, $0x38;
	[tilespmem:$0xC080] =	vst v63  }
0xc8: {  	s23 =	rddreg [dreg:$0xb]  }
0xc9: {  	[hbm4b:s23+s1] =	stream.linear.scatter [tilespmem:s11], [sflag:$0x3], $0x4000, $0x38;
	[tilespmem:$0xC080] =	vst v63  }
0xca: {  	s24 =	rddreg [dreg:$0xc]  }
0xcb: {  	[hbm4b:s24+s1] =	stream.linear.scatter [tilespmem:s12], [sflag:$0x1], $0x4000, $0x38;
	[tilespmem:$0xC080] =	vst v63  }
0xcc: {  	s23 =	rddreg [dreg:$0xd]  }
0xcd: {  	[hbm4b:s23+s1] =	stream.linear.scatter [tilespmem:s11], [sflag:$0x3], $0x4000, $0x38;
	[tilespmem:$0xC080] =	vst v63  }
0xce: {  	s24 =	rddreg [dreg:$0xe]  }
0xcf: {  	[hbm4b:s24+s1] =	stream.linear.scatter [tilespmem:s12], [sflag:$0x1], $0x4000, $0x38;
	[tilespmem:$0xC080] =	vst v63  }
0xd0: {  	s23 =	rddreg [dreg:$0xf]  }
0xd1: {  	[hbm4b:s23+s1] =	stream.linear.scatter [tilespmem:s11], [sflag:$0x3], $0x4000, $0x38;
	[tilespmem:$0xC080] =	vst v63  }
0xd2: {  	s24 =	rddreg [dreg:$0x10]  }
0xd3: {  	[hbm4b:s24+s1] =	stream.linear.scatter [tilespmem:s12], [sflag:$0x1], $0x4000, $0x38;
	[tilespmem:$0xC080] =	vst v63  }
0xd4: {  	s23 =	rddreg [dreg:$0x11]  }
0xd5: {  	[hbm4b:s23+s1] =	stream.linear.scatter [tilespmem:s11], [sflag:$0x3], $0x4000, $0x38;
	[tilespmem:$0xC080] =	vst v63  }
0xd6: {  	_ = 	snop  }
0xd7: {  	[hbm4b:s7+s1] =	stream.linear.scatter [tilespmem:s12], [sflag:$0x1], $0x4000, $0x38;
	[tilespmem:$0xC080] =	vst v63  }
0xd8: {  	_ = 	snop  }
0xd9: {  	[hbm4b:s8+s1] =	stream.linear.scatter [tilespmem:s11], [sflag:$0x3], $0x4000, $0x38;
	[tilespmem:$0xC080] =	vst v63  }
0xda: {  	_ = 	snop  }
0xdb: {  	[hbm4b:s9+s1] =	stream.linear.scatter [tilespmem:s12], [sflag:$0x1], $0x4000, $0x38;
	[tilespmem:$0xC080] =	vst v63  }
0xdc: {  	_ =	swait.ge [sflag:s6], $0x800  }
0xdd: {  	[sflag:s6] =	ssyncset.done $0x0  }
0xde: {  	[sflag:s6] =	ssyncadd.s32 $0xFFFFF800  }
0xdf: {  	_ =	swait.ge [sflag:s6], $0x800  }
0xe0: {  	[sflag:s6] =	ssyncset.done $0x0  }
0xe1: {  	[sflag:s6] =	ssyncadd.s32 $0xFFFFF800  }
0xe2: {  	_ =	swait.ge [sflag:s6], $0x800  }
0xe3: {  	[sflag:s6] =	ssyncset.done $0x0  }
0xe4: {  	[sflag:s6] =	ssyncadd.s32 $0xFFFFF800  }
0xe5: {  	_ =	swait.ge [sflag:s6], $0x800  }
0xe6: {  	[sflag:s6] =	ssyncset.done $0x0  }
0xe7: {  	[sflag:s6] =	ssyncadd.s32 $0xFFFFF800  }
0xe8: {  	_ =	swait.ge [sflag:s6], $0x800  }
0xe9: {  	[sflag:s6] =	ssyncset.done $0x0  }
0xea: {  	[sflag:s6] =	ssyncadd.s32 $0xFFFFF800  }
0xeb: {  	_ =	swait.ge [sflag:s2], $0x4000  }
0xec: {  	[sflag:s2] =	ssyncset.done $0x0  }
0xed: {  	[sflag:s2] =	ssyncadd.s32 $0xFFFFC000  }
0xee: {  	_ =	swait.ge [sflag:s3], $0x4000  }
0xef: {  	[sflag:s3] =	ssyncset.done $0x0  }
0xf0: {  	[sflag:s3] =	ssyncadd.s32 $0xFFFFC000  }
0xf1: {  	_ =	swait.ge [sflag:s2], $0x4000  }
0xf2: {  	[sflag:s2] =	ssyncset.done $0x0  }
0xf3: {  	[sflag:s2] =	ssyncadd.s32 $0xFFFFC000  }
0xf4: {  	_ =	swait.ge [sflag:s3], $0x4000  }
0xf5: {  	[sflag:s3] =	ssyncset.done $0x0  }
0xf6: {  	[sflag:s3] =	ssyncadd.s32 $0xFFFFC000  }
0xf7: {  	_ =	swait.ge [sflag:s2], $0x4000  }
0xf8: {  	[sflag:s2] =	ssyncset.done $0x0  }
0xf9: {  	[sflag:s2] =	ssyncadd.s32 $0xFFFFC000  }
0xfa: {  	_ =	swait.ge [sflag:s3], $0x4000  }
0xfb: {  	[sflag:s3] =	ssyncset.done $0x0  }
0xfc: {  	[sflag:s3] =	ssyncadd.s32 $0xFFFFC000  }
0xfd: {  	_ =	swait.ge [sflag:s2], $0x4000  }
0xfe: {  	[sflag:s2] =	ssyncset.done $0x0  }
0xff: {  	[sflag:s2] =	ssyncadd.s32 $0xFFFFC000  }
0x100: {  	_ =	swait.ge [sflag:s3], $0x4000  }
0x101: {  	[sflag:s3] =	ssyncset.done $0x0  }
0x102: {  	[sflag:s3] =	ssyncadd.s32 $0xFFFFC000  }
0x103: {  	_ =	swait.ge [sflag:s2], $0x4000  }
0x104: {  	s22 =	sadd.s32 $0xFFFFFFFF, s22;
	[sflag:s2] =	ssyncset.done $0x0  }
0x105: {  	p3 =	sne.s32 s22, $0x0;
	[sflag:s2] =	ssyncadd.s32 $0xFFFFC000  }
.Ltmp2:
0x106: {  	_ =	swait.ge [sflag:s3], $0x4000;
	(pc) =	sbr.rel @p3 .LBB2_3-.Ltmp2, $4  }
0x107: {  	[sflag:s3] =	ssyncset.done $0x0  }
0x108: {  	[sflag:s3] =	ssyncadd.s32 $0xFFFFC000  }
0x109: {  	_ =	swait.ge [sflag:s2], $0x4000  }
0x10a: {  	s23 =	rddreg [dreg:$0x5];
	[sflag:s2] =	ssyncset.done $0x0  }
0x10b: {  	s22 =	rddreg [dreg:$0x4]  }
.LBB2_5:
0x10c: {  	[sflag:s2] =	ssyncadd.s32 @p2 $0xFFFFC000;
	s0 =	simm.s32 @!p0 $0x0;
	s19 =	simm.s32 @!p0 $0x4  }
0x10d: {  	[tilespmem:s0], [sflag:$0x4] =	stream.linear.gather @!p0 [hbm4b:s23+s0], $0x80, $0x38;
	[tilespmem:$0xC080] =	vst v63  }
0x10e: {  	_ =	swait.ge @!p0 [sflag:s19], $0x80  }
0x10f: {  	[sflag:s19] =	ssyncset.done @!p0 $0x0  }
0x110: {  	[sflag:s19] =	ssyncadd.s32 @!p0 $0xFFFFFF80  }
0x111: {  	v0 =	vld @!p0 [tilespmem:$0x0];
	_ =	sdelay $0x4  }
0x112: {  	v1 =	vshll.u32 @!p0 v0, $0x3  }
0x113: {  	v2 =	vlaneseq.u32 @!p0;
	v0 =	vand.u32 @!p0 $0x3, v0;
	v1 =	vand.u32 @!p0 $0xFFFFFFE0, v1  }
0x114: {  	v3 =	vshrl.u32 @!p0 v2, $0x3;
	v0 =	vor.u32 @!p0 v0, v1;
	v1 =	vand.u32 @!p0 $0x7, v2  }
0x115: {  	v3 =	vmul.u32 @!p0 $0x4, v3;
	v1 =	vperm.xlane @!p0 v0, v1;
	_ =	sdelay $0x1  }
0x116: {  	v1 =	vadd.s32 @!p0 v3, v1;
	_ =	sdelay $0x3  }
0x117: {  	s20 =	simm.s32 @!p0 $0x80  }
0x118: {  	v2 =	vor.u32 @!p0 $0x8, v2;
	[tilespmem:s20], [sflag:$0x1] =	stream.indirect_vreg.gather @!p0 [hbm4b:s10+s0], $0x80, v1, vm0, $0xb8;
	[tilespmem:$0xC080] =	vst v63  }
0x119: {  	s21 =	simm.s32 @!p0 $0x880;
	v0 =	vperm.xlane @!p0 v0, v2  }
0x11a: {  	[tilespmem:s21], [sflag:$0x1] =	stream.indirect_vreg.gather @!p0 [hbm4b:s16+s0], $0x80, v1, vm0, $0xb8;
	[tilespmem:$0xC080] =	vst v63  }
0x11b: {  	v0 =	vadd.s32 @!p0 v3, v0;
	s21 =	simm.s32 @!p0 $0x1080  }
0x11c: {  	[tilespmem:s21], [sflag:$0x1] =	stream.indirect_vreg.gather @!p0 [hbm4b:s17+s0], $0x80, v1, vm0, $0xb8;
	[tilespmem:$0xC080] =	vst v63  }
0x11d: {  	s21 =	simm.s32 @!p0 $0x1880  }
0x11e: {  	[tilespmem:s21], [sflag:$0x1] =	stream.indirect_vreg.gather @!p0 [hbm4b:s18+s0], $0x80, v1, vm0, $0xb8;
	[tilespmem:$0xC080] =	vst v63  }
0x11f: {  	s21 =	simm.s32 @!p0 $0x2080  }
0x120: {  	[tilespmem:s21], [sflag:$0x1] =	stream.indirect_vreg.gather @!p0 [hbm4b:s10+s0], $0x80, v0, vm0, $0xb8;
	[tilespmem:$0xC080] =	vst v63  }
0x121: {  	s10 =	simm.s32 @!p0 $0x2880  }
0x122: {  	[tilespmem:s10], [sflag:$0x1] =	stream.indirect_vreg.gather @!p0 [hbm4b:s16+s0], $0x80, v0, vm0, $0xb8;
	[tilespmem:$0xC080] =	vst v63  }
0x123: {  	s10 =	simm.s32 @!p0 $0x3080  }
0x124: {  	[tilespmem:s10], [sflag:$0x1] =	stream.indirect_vreg.gather @!p0 [hbm4b:s17+s0], $0x80, v0, vm0, $0xb8;
	[tilespmem:$0xC080] =	vst v63  }
0x125: {  	s16 =	simm.s32 @!p0 $0x1;
	s10 =	simm.s32 @!p0 $0x3880  }
0x126: {  	[tilespmem:s10], [sflag:$0x1] =	stream.indirect_vreg.gather @!p0 [hbm4b:s18+s0], $0x80, v0, vm0, $0xb8;
	[tilespmem:$0xC080] =	vst v63  }
0x127: {  	_ =	swait.ge @!p0 [sflag:s16], $0x4000  }
0x128: {  	[sflag:s16] =	ssyncset.done @!p0 $0x0  }
0x129: {  	[sflag:s16] =	ssyncadd.s32 @!p0 $0xFFFFC000  }
0x12a: {  	[spmem:s4] =	stream.linear.scatter @!p0 [tilespmem:s20], [sflag:$0x4], $0x4000, $0x38;
	[tilespmem:$0xC080] =	vst v63  }
0x12b: {  	_ =	swait.ge @!p0 [sflag:s19], $0x4000  }
0x12c: {  	[sflag:s19] =	ssyncset.done @!p0 $0x0  }
0x12d: {  	[sflag:s19] =	ssyncadd.s32 @!p0 $0xFFFFC000  }
0x12e: {  	[bflag:$0x0] =	sbarrier.arrive $0xFFFF  }
0x12f: {  	s23 =	rddreg [dreg:$0x6]  }
0x130: {  	[hbm:s23], [sflag:s14] =	dma.local [spmem:s15], $0x800  }
0x131: {  	s0 =	rddreg [dreg:$0x7]  }
0x132: {  	[hbm:s0], [sflag:s14] =	dma.local [spmem:s15], $0x800  }
0x133: {  	s0 =	rddreg [dreg:$0x8]  }
0x134: {  	[hbm:s0], [sflag:s14] =	dma.local [spmem:s15], $0x800  }
0x135: {  	s0 =	rddreg [dreg:$0x9]  }
0x136: {  	[hbm:s0], [sflag:s14] =	dma.local [spmem:s15], $0x800  }
0x137: {  	s10 =	simm.s32 @!p1 $0x80;
	s16 =	simm.s32 @!p1 $0x4;
	s0 =	rddreg [dreg:$0xa]  }
0x138: {  	[hbm:s0], [sflag:s14] =	dma.local [spmem:s15], $0x800  }
0x139: {  	[tilespmem:s10], [sflag:$0x4] =	stream.linear.gather @!p1 [spmem:s4], $0x4000, $0x38;
	[tilespmem:$0xC080] =	vst v63  }
0x13a: {  	_ =	swait.ge @!p1 [sflag:s16], $0x4000  }
0x13b: {  	[sflag:s16] =	ssyncset.done @!p1 $0x0  }
0x13c: {  	[sflag:s16] =	ssyncadd.s32 @!p1 $0xFFFFC000  }
0x13d: {  	[tilespmem:s11], [sflag:$0x4] =	stream.linear.gather [spmem:s4], $0x4000, $0x38;
	[tilespmem:$0xC080] =	vst v63  }
0x13e: {  	_ =	swait.ge [sflag:s13], $0x4000  }
0x13f: {  	[sflag:s13] =	ssyncset.done $0x0  }
0x140: {  	[sflag:s13] =	ssyncadd.s32 $0xFFFFC000  }
0x141: {  	[hbm4b:s5+s1] =	stream.linear.scatter [tilespmem:s12], [sflag:$0x1], $0x4000, $0x38;
	[tilespmem:$0xC080] =	vst v63  }
0x142: {  	s24 =	rddreg [dreg:$0xb]  }
0x143: {  	[hbm4b:s24+s1] =	stream.linear.scatter [tilespmem:s11], [sflag:$0x3], $0x4000, $0x38;
	[tilespmem:$0xC080] =	vst v63  }
0x144: {  	s25 =	rddreg [dreg:$0xc]  }
0x145: {  	[hbm4b:s25+s1] =	stream.linear.scatter [tilespmem:s12], [sflag:$0x1], $0x4000, $0x38;
	[tilespmem:$0xC080] =	vst v63  }
0x146: {  	s26 =	rddreg [dreg:$0xd]  }
0x147: {  	[hbm4b:s26+s1] =	stream.linear.scatter [tilespmem:s11], [sflag:$0x3], $0x4000, $0x38;
	[tilespmem:$0xC080] =	vst v63  }
0x148: {  	s28 =	rddreg [dreg:$0xe]  }
0x149: {  	[hbm4b:s28+s1] =	stream.linear.scatter [tilespmem:s12], [sflag:$0x1], $0x4000, $0x38;
	[tilespmem:$0xC080] =	vst v63  }
0x14a: {  	s29 =	rddreg [dreg:$0xf]  }
0x14b: {  	[hbm4b:s29+s1] =	stream.linear.scatter [tilespmem:s11], [sflag:$0x3], $0x4000, $0x38;
	[tilespmem:$0xC080] =	vst v63  }
0x14c: {  	s30 =	rddreg [dreg:$0x10]  }
0x14d: {  	[hbm4b:s30+s1] =	stream.linear.scatter [tilespmem:s12], [sflag:$0x1], $0x4000, $0x38;
	[tilespmem:$0xC080] =	vst v63  }
0x14e: {  	s31 =	rddreg [dreg:$0x11]  }
0x14f: {  	[hbm4b:s31+s1] =	stream.linear.scatter [tilespmem:s11], [sflag:$0x3], $0x4000, $0x38;
	[tilespmem:$0xC080] =	vst v63  }
0x150: {  	_ = 	snop  }
0x151: {  	[hbm4b:s7+s1] =	stream.linear.scatter [tilespmem:s12], [sflag:$0x1], $0x4000, $0x38;
	[tilespmem:$0xC080] =	vst v63  }
0x152: {  	_ = 	snop  }
0x153: {  	[hbm4b:s8+s1] =	stream.linear.scatter [tilespmem:s11], [sflag:$0x3], $0x4000, $0x38;
	[tilespmem:$0xC080] =	vst v63  }
0x154: {  	_ = 	snop  }
0x155: {  	[hbm4b:s9+s1] =	stream.linear.scatter [tilespmem:s12], [sflag:$0x1], $0x4000, $0x38;
	[tilespmem:$0xC080] =	vst v63  }
0x156: {  	_ =	swait.ge [sflag:s6], $0x800  }
0x157: {  	[sflag:s6] =	ssyncset.done $0x0  }
0x158: {  	[sflag:s6] =	ssyncadd.s32 $0xFFFFF800  }
0x159: {  	_ =	swait.ge [sflag:s6], $0x800  }
0x15a: {  	[sflag:s6] =	ssyncset.done $0x0  }
0x15b: {  	[sflag:s6] =	ssyncadd.s32 $0xFFFFF800  }
0x15c: {  	_ =	swait.ge [sflag:s6], $0x800  }
0x15d: {  	[sflag:s6] =	ssyncset.done $0x0  }
0x15e: {  	[sflag:s6] =	ssyncadd.s32 $0xFFFFF800  }
0x15f: {  	_ =	swait.ge [sflag:s6], $0x800  }
0x160: {  	[sflag:s6] =	ssyncset.done $0x0  }
0x161: {  	[sflag:s6] =	ssyncadd.s32 $0xFFFFF800  }
0x162: {  	_ =	swait.ge [sflag:s6], $0x800  }
0x163: {  	[sflag:s6] =	ssyncset.done $0x0  }
0x164: {  	[sflag:s6] =	ssyncadd.s32 $0xFFFFF800  }
0x165: {  	_ =	swait.ge [sflag:s2], $0x4000  }
0x166: {  	[sflag:s2] =	ssyncset.done $0x0  }
0x167: {  	[sflag:s2] =	ssyncadd.s32 $0xFFFFC000  }
0x168: {  	_ =	swait.ge [sflag:s3], $0x4000  }
0x169: {  	[sflag:s3] =	ssyncset.done $0x0  }
0x16a: {  	[sflag:s3] =	ssyncadd.s32 $0xFFFFC000  }
0x16b: {  	_ =	swait.ge [sflag:s2], $0x4000  }
0x16c: {  	[sflag:s2] =	ssyncset.done $0x0  }
0x16d: {  	[sflag:s2] =	ssyncadd.s32 $0xFFFFC000  }
0x16e: {  	_ =	swait.ge [sflag:s3], $0x4000  }
0x16f: {  	[sflag:s3] =	ssyncset.done $0x0  }
0x170: {  	[sflag:s3] =	ssyncadd.s32 $0xFFFFC000  }
0x171: {  	_ =	swait.ge [sflag:s2], $0x4000  }
0x172: {  	[sflag:s2] =	ssyncset.done $0x0  }
0x173: {  	[sflag:s2] =	ssyncadd.s32 $0xFFFFC000  }
0x174: {  	_ =	swait.ge [sflag:s3], $0x4000  }
0x175: {  	[sflag:s3] =	ssyncset.done $0x0  }
0x176: {  	[sflag:s3] =	ssyncadd.s32 $0xFFFFC000  }
0x177: {  	_ =	swait.ge [sflag:s2], $0x4000  }
0x178: {  	[sflag:s2] =	ssyncset.done $0x0  }
0x179: {  	[sflag:s2] =	ssyncadd.s32 $0xFFFFC000  }
0x17a: {  	_ =	swait.ge [sflag:s3], $0x4000  }
0x17b: {  	[sflag:s3] =	ssyncset.done $0x0  }
0x17c: {  	[sflag:s3] =	ssyncadd.s32 $0xFFFFC000  }
0x17d: {  	_ =	swait.ge [sflag:s2], $0x4000  }
0x17e: {  	[sflag:s2] =	ssyncset.done $0x0  }
0x17f: {  	[sflag:s2] =	ssyncadd.s32 $0xFFFFC000  }
0x180: {  	_ =	swait.ge [sflag:s3], $0x4000  }
0x181: {  	[sflag:s3] =	ssyncset.done $0x0  }
0x182: {  	[sflag:s3] =	ssyncadd.s32 $0xFFFFC000  }
0x183: {  	_ =	swait.ge [sflag:s2], $0x4000  }
0x184: {  	[sflag:s2] =	ssyncset.done $0x0  }
0x185: {  	[sflag:s2] =	ssyncadd.s32 $0xFFFFC000  }
0x186: {  	_ =	sfence.sel $0x180000  }
0x187: {  	[bflag:$0x0] =	sbarrier.arrive $0xFFFF  }
0x188: {  	_ =	strace $0x90000047  }
0x189: {  	s0 =	sadd.s32 @!p0 $0x100000, s22;
	[bflag:$0x2] =	sbarrier.arrive $0xFFFF  }
0x18a: {  	[sflag:s0] =	ssyncadd.tile.s32 @!p0 $0x1;
	_ =	shalt  }
.LBB2_2:
.Ltmp3:
0x18b: {  	(pc) =	sbr.rel .LBB2_5-.Ltmp3, $2  }
0x18c: {  	_ =	sdelay $0x2  }
0x18d: {  	s22 =	rddreg [dreg:$0x4]  }
.Lfunc_end2:
_tile_overlayer_lowered:
.L_overlay_start_2:
0x18e: {  	(tag) =	ssettag $0x2  }
0x18f: {  	s0 =	rddreg [dreg:$0x0];
	s2 =	stileid.u32  }
0x190: {  	s1 =	rddreg [dreg:$0x1];
	p0 =	sne.s32 s2, $0x0  }
0x191: {  	s3 =	rddreg [dreg:$0x2];
	[bflag:$0x3] =	sbarrier.arrive $0xFFFF;
	s2 =	simm.s32 @!p0 $0x1C04  }
0x192: {  	[timem:s3], [sflag:s2] =	dma.local @!p0 [hbm:s0], s1  }
0x193: {  	s0 =	simm.s32 @!p0 $0x4  }
0x194: {  	_ =	swait.ge @!p0 [sflag:s0], s1  }
0x195: {  	s1 =	ssub.s32 @!p0 $0x0, s1;
	[sflag:s0] =	ssyncset.done @!p0 $0x0  }
0x196: {  	[sflag:s0] =	ssyncadd.s32 @!p0 s1  }
0x197: {  	[bflag:$0x3] =	sbarrier.arrive $0xFFFF  }
0x198: {  	_ =	shalt  }

</sc_bundles>
